<compile_context>
chip_gen: v7x
topology: tpu7x:2x2x1
jax: 0.10.2.dev20260603
libtpu: 0.0.44.dev20260713+nightly
codegen_flags: <defaults>
</compile_context>

<pallas_src>
import jax
import jax.numpy as jnp
from jax import lax
from jax.experimental import pallas as pl
from jax.experimental.pallas import tpu as pltpu
from jax.experimental.pallas import tpu_sc as plsc

N = 100000
NPAD = 100352
SLICE = NPAD // 16
E = 3200000
NB = E // 128
KC = 8
NCH = NB // KC
CH_LO = NCH // 32
CH_EX = NCH % 32
NG_MAX = (CH_LO + 1) * KC
D = 8
H = 16
P = 4
F32 = jnp.float32

_mesh = plsc.VectorSubcoreMesh(core_axis_name="c", subcore_axis_name="s")
_sc_params = pltpu.CompilerParams(use_tc_tiling_on_sc=False)


def _worker_range(c, s):
    wid = c * 16 + s
    start = (wid * CH_LO + jnp.minimum(wid, CH_EX)) * KC
    ng = (CH_LO + jnp.where(wid < CH_EX, 1, 0)) * KC
    return start, ng


def _deg_body(edge_ref, ones_hbm, zs_hbm, deg0_out, deg1_out,
              dst_buf, ones_vm, deg_sh, sem_e, sem_s):
    c = lax.axis_index("c")
    s = lax.axis_index("s")
    start, ng = _worker_range(c, s)
    pltpu.sync_copy(ones_hbm, ones_vm)
    pltpu.sync_copy(zs_hbm, deg_sh.at[pl.ds(s * SLICE, SLICE)])
    plsc.subcore_barrier()
    pltpu.async_copy(edge_ref.at[1, pl.ds(start, KC)], dst_buf.at[0],
                     sem_e.at[0])

    def body(t, carry):
        sl = lax.rem(lax.div(t, KC), 3)
        row = lax.rem(t, KC)

        @pl.when((row == 0) & (t + KC < ng))
        def _():
            so = lax.rem(lax.div(t, KC) + 1, 3)
            pltpu.async_copy(edge_ref.at[1, pl.ds(start + t + KC, KC)],
                             dst_buf.at[so], sem_e.at[so])

        @pl.when((row == 0) & (t < ng))
        def _():
            pltpu.make_async_copy(edge_ref.at[1, pl.ds(start + t, KC)],
                                  dst_buf.at[sl], sem_e.at[sl]).wait()

        @pl.when(t < ng)
        def _():
            pltpu.sync_copy(ones_vm, deg_sh.at[dst_buf.at[sl, row]],
                            add=True)

        return carry

    lax.fori_loop(0, NG_MAX + 1, body, 0)
    plsc.subcore_barrier()

    @pl.when(c == 0)
    def _():
        pltpu.sync_copy(deg_sh.at[pl.ds(s * SLICE, SLICE)],
                        deg0_out.at[pl.ds(s * SLICE, SLICE)])

    @pl.when(c == 1)
    def _():
        pltpu.sync_copy(deg_sh.at[pl.ds(s * SLICE, SLICE)],
                        deg1_out.at[pl.ds(s * SLICE, SLICE)])


_deg_call = pl.kernel(
    _deg_body,
    out_type=(jax.ShapeDtypeStruct((NPAD,), F32),
              jax.ShapeDtypeStruct((NPAD,), F32)),
    mesh=_mesh,
    compiler_params=_sc_params,
    scratch_types=[
        pltpu.VMEM((3, KC, 128), jnp.int32),
        pltpu.VMEM((128,), F32),
        pltpu.VMEM_SHARED((NPAD,), F32),
        pltpu.SemaphoreType.DMA((3,)),
        pltpu.SemaphoreType.DMA((P,)),
    ],
)


def _main_body(edge_ref, xn_hbm, norm_hbm, zr_hbm, zs_hbm,
               accx0_out, accx1_out, s0_out, s1_out,
               src_buf, dst_buf, rows_v, nd_v, accx_sh, s_sh,
               sem_e, sem_g, sem_s):
    c = lax.axis_index("c")
    s = lax.axis_index("s")
    start, ng = _worker_range(c, s)
    pltpu.sync_copy(zr_hbm, accx_sh.at[pl.ds(s * SLICE, SLICE)])
    pltpu.sync_copy(zs_hbm, s_sh.at[pl.ds(s * SLICE, SLICE)])
    plsc.subcore_barrier()
    pltpu.async_copy(edge_ref.at[0, pl.ds(start, KC)], src_buf.at[0],
                     sem_e.at[0])
    pltpu.async_copy(edge_ref.at[1, pl.ds(start, KC)], dst_buf.at[0],
                     sem_e.at[0])

    def body(t, carry):
        sl = lax.rem(lax.div(t, KC), 3)
        row = lax.rem(t, KC)

        @pl.when((row == 0) & (t + KC < ng))
        def _():
            so = lax.rem(lax.div(t, KC) + 1, 3)
            pltpu.async_copy(edge_ref.at[0, pl.ds(start + t + KC, KC)],
                             src_buf.at[so], sem_e.at[so])
            pltpu.async_copy(edge_ref.at[1, pl.ds(start + t + KC, KC)],
                             dst_buf.at[so], sem_e.at[so])

        @pl.when((row == 0) & (t < ng))
        def _():
            pltpu.make_async_copy(edge_ref.at[0, pl.ds(start + t, KC)],
                                  src_buf.at[sl], sem_e.at[sl]).wait()
            pltpu.make_async_copy(edge_ref.at[1, pl.ds(start + t, KC)],
                                  dst_buf.at[sl], sem_e.at[sl]).wait()

        @pl.when((t >= 2) & (t - 2 < ng))
        def _():
            g2 = t - 2
            ss = lax.rem(g2, P)
            e2 = lax.rem(lax.div(g2, KC), 3)
            r2 = lax.rem(g2, KC)
            pltpu.make_async_copy(xn_hbm.at[src_buf.at[e2, r2]],
                                  rows_v.at[ss], sem_g.at[ss]).wait()
            pltpu.make_async_copy(norm_hbm.at[dst_buf.at[e2, r2]],
                                  nd_v.at[ss], sem_g.at[ss]).wait()
            pltpu.async_copy(rows_v.at[ss], accx_sh.at[dst_buf.at[e2, r2]],
                             sem_s.at[ss], add=True)
            pltpu.make_async_copy(rows_v.at[ss],
                                  accx_sh.at[dst_buf.at[e2, r2]],
                                  sem_s.at[ss]).wait()
            pltpu.sync_copy(nd_v.at[ss], s_sh.at[src_buf.at[e2, r2]],
                            add=True)

        @pl.when(t < ng)
        def _():
            sg = lax.rem(t, P)
            pltpu.async_copy(xn_hbm.at[src_buf.at[sl, row]], rows_v.at[sg],
                             sem_g.at[sg])
            pltpu.async_copy(norm_hbm.at[dst_buf.at[sl, row]], nd_v.at[sg],
                             sem_g.at[sg])

        return carry

    lax.fori_loop(0, NG_MAX + 2, body, 0)
    plsc.subcore_barrier()

    @pl.when(c == 0)
    def _():
        pltpu.sync_copy(accx_sh.at[pl.ds(s * SLICE, SLICE)],
                        accx0_out.at[pl.ds(s * SLICE, SLICE)])
        pltpu.sync_copy(s_sh.at[pl.ds(s * SLICE, SLICE)],
                        s0_out.at[pl.ds(s * SLICE, SLICE)])

    @pl.when(c == 1)
    def _():
        pltpu.sync_copy(accx_sh.at[pl.ds(s * SLICE, SLICE)],
                        accx1_out.at[pl.ds(s * SLICE, SLICE)])
        pltpu.sync_copy(s_sh.at[pl.ds(s * SLICE, SLICE)],
                        s1_out.at[pl.ds(s * SLICE, SLICE)])


_main_call = pl.kernel(
    _main_body,
    out_type=(
        jax.ShapeDtypeStruct((NPAD, D), F32),
        jax.ShapeDtypeStruct((NPAD, D), F32),
        jax.ShapeDtypeStruct((NPAD,), F32),
        jax.ShapeDtypeStruct((NPAD,), F32),
    ),
    mesh=_mesh,
    compiler_params=_sc_params,
    scratch_types=[
        pltpu.VMEM((3, KC, 128), jnp.int32),
        pltpu.VMEM((3, KC, 128), jnp.int32),
        pltpu.VMEM((P, 128, D), F32),
        pltpu.VMEM((P, 128), F32),
        pltpu.VMEM_SHARED((NPAD, D), F32),
        pltpu.VMEM_SHARED((NPAD,), F32),
        pltpu.SemaphoreType.DMA((3,)),
        pltpu.SemaphoreType.DMA((P,)),
        pltpu.SemaphoreType.DMA((P,)),
    ],
)


def _tc1_body(d0v_ref, d1v_ref, d0f_ref, d1f_ref, xf_ref, r8_ref,
              xnf_ref, n16_ref, nf_ref):
    deg16 = d0v_ref[...] + d1v_ref[...] + 1.0
    nrm16 = lax.rsqrt(deg16)
    n16_ref[...] = nrm16
    nf_ref[...] = lax.rsqrt(d0f_ref[...] + d1f_ref[...] + 1.0)
    nrep8 = jnp.dot(nrm16, r8_ref[...], preferred_element_type=F32)
    xnf_ref[...] = xf_ref[...] * nrep8


_GRID = 7
_RF = NPAD * D // 128
_RN = NPAD // 128


def _tc1(d0v, d1v, d0f, d1f, xflat, R8):
    bf = _RF // _GRID
    bn = _RN // _GRID
    return pl.pallas_call(
        _tc1_body,
        grid=(_GRID,),
        in_specs=[
            pl.BlockSpec((bf, 16), lambda i: (i, 0)),
            pl.BlockSpec((bf, 16), lambda i: (i, 0)),
            pl.BlockSpec((bn, 128), lambda i: (i, 0)),
            pl.BlockSpec((bn, 128), lambda i: (i, 0)),
            pl.BlockSpec((bf, 128), lambda i: (i, 0)),
            pl.BlockSpec((16, 128), lambda i: (0, 0)),
        ],
        out_specs=[
            pl.BlockSpec((bf, 128), lambda i: (i, 0)),
            pl.BlockSpec((bf, 16), lambda i: (i, 0)),
            pl.BlockSpec((bn, 128), lambda i: (i, 0)),
        ],
        out_shape=[
            jax.ShapeDtypeStruct((_RF, 128), F32),
            jax.ShapeDtypeStruct((_RF, 16), F32),
            jax.ShapeDtypeStruct((_RN, 128), F32),
        ],
    )(d0v, d1v, d0f, d1f, xflat, R8)


def _tc2_body(a0_ref, a1_ref, xn_ref, s0_ref, s1_ref, n16_ref,
              w1b_ref, b1r_ref, r16_ref, fold_ref, w2_ref, b2_ref,
              wa_ref, ba_ref, out_ref, r_acc):
    k = pl.program_id(0)

    @pl.when(k == 0)
    def _():
        r_acc[...] = jnp.zeros_like(r_acc)

    blk = a0_ref.shape[0]
    u = a0_ref[...] + a1_ref[...] + xn_ref[...]
    pre = jnp.dot(u, w1b_ref[...], preferred_element_type=F32)
    nrm16 = n16_ref[...]
    nrep16 = jnp.dot(nrm16, r16_ref[...], preferred_element_type=F32)
    h1 = jax.nn.relu(nrep16 * pre + b1r_ref[...])
    wv = nrm16 * (nrm16 + s0_ref[...] + s1_ref[...])
    gidx = ((lax.broadcasted_iota(jnp.int32, (blk, 16), 0) + k * blk) * 16
            + lax.broadcasted_iota(jnp.int32, (blk, 16), 1))
    wv = jnp.where(gidx < N, wv, 0.0)
    wrep = jnp.dot(wv, r16_ref[...], preferred_element_type=F32)
    r_acc[...] += jnp.sum(wrep * h1, axis=0, keepdims=True)

    @pl.when(k == _GRID - 1)
    def _():
        r16 = jnp.dot(r_acc[...], fold_ref[...], preferred_element_type=F32)
        feat = jnp.dot(r16, w2_ref[...],
                       preferred_element_type=F32) * (1.0 / N) + b2_ref[...]
        out_ref[...] = jnp.dot(feat, wa_ref[...],
                               preferred_element_type=F32) + ba_ref[...]


def _tc2(a0f, a1f, xnf, s0v, s1v, n16, W1big, b1rep, R16, F16,
         W2, b2r, Wa, bar):
    bf = _RF // _GRID
    wspec = lambda shape: pl.BlockSpec(shape, lambda i: (0, 0))
    return pl.pallas_call(
        _tc2_body,
        grid=(_GRID,),
        in_specs=[
            pl.BlockSpec((bf, 128), lambda i: (i, 0)),
            pl.BlockSpec((bf, 128), lambda i: (i, 0)),
            pl.BlockSpec((bf, 128), lambda i: (i, 0)),
            pl.BlockSpec((bf, 16), lambda i: (i, 0)),
            pl.BlockSpec((bf, 16), lambda i: (i, 0)),
            pl.BlockSpec((bf, 16), lambda i: (i, 0)),
            wspec((128, 256)),
            wspec((1, 256)),
            wspec((16, 256)),
            wspec((256, 16)),
            wspec((H, 64)),
            wspec((1, 64)),
            wspec((64, 10)),
            wspec((1, 10)),
        ],
        out_specs=pl.BlockSpec((1, 10), lambda i: (0, 0)),
        out_shape=jax.ShapeDtypeStruct((1, 10), F32),
        scratch_shapes=[pltpu.VMEM((1, 256), F32)],
    )(a0f, a1f, xnf, s0v, s1v, n16, W1big, b1rep, R16, F16,
      W2, b2r, Wa, bar)


def kernel(x, edge_index, W1, b1, W2, b2, Wa, ba):
    edge_r = edge_index.reshape(2, NB, 128)
    xflat = jnp.pad(x, ((0, NPAD - N), (0, D - 5))).reshape(_RF, 128)
    W1p = jnp.zeros((D, H), F32).at[:5, :].set(W1)
    eye16 = jnp.eye(16, dtype=F32)
    W1big = jnp.kron(eye16, W1p)
    R8 = jnp.kron(eye16, jnp.ones((1, D), F32))
    R16 = jnp.kron(eye16, jnp.ones((1, H), F32))
    F16 = jnp.tile(eye16, (16, 1))
    b1rep = jnp.tile(b1, 16).reshape(1, 256)
    ones128 = jnp.ones((128,), F32)
    zeros_s = jnp.zeros((SLICE,), F32)
    zeros_r = jnp.zeros((SLICE, D), F32)

    deg0, deg1 = _deg_call(edge_r, ones128, zeros_s)

    d0v = deg0.reshape(_RF, 16)
    d1v = deg1.reshape(_RF, 16)
    d0f = deg0.reshape(_RN, 128)
    d1f = deg1.reshape(_RN, 128)
    xnf, n16, normf = _tc1(d0v, d1v, d0f, d1f, xflat, R8)

    accx0, accx1, s0, s1 = _main_call(edge_r, xnf.reshape(NPAD, D),
                                      normf.reshape(NPAD), zeros_r, zeros_s)

    logits = _tc2(accx0.reshape(_RF, 128), accx1.reshape(_RF, 128),
                  xnf, s0.reshape(_RF, 16), s1.reshape(_RF, 16),
                  n16, W1big, b1rep, R16, F16,
                  W2, b2.reshape(1, 64), Wa, ba.reshape(1, 10))
    return logits

# --- scband reference (transcript-rebuilt; emitter-appended) ---
"""Pipeline reference for scband-gnnrlmodel-12017318494530 (READ-ONLY COPY).

The authoritative reference and input builder live on the scoring server;
editing this copy changes nothing except your own understanding.
"""

import jax, jax.numpy as jnp
import numpy as np

N_NODES = 100000
N_EDGES = 3200000
IN_C = 5
HID_C = 16
OUT_C = 64
NUM_OUTPUTS = 10


def setup_inputs(seed: int = 0) -> dict:
    key = jax.random.key(seed)
    ks = jax.random.split(key, 8)
    x = jax.random.normal(ks[0], (N_NODES, IN_C), dtype=jnp.float32)
    edge_index = jax.random.randint(ks[1], (2, N_EDGES), 0, N_NODES, dtype=jnp.int32)
    W1 = jax.random.normal(ks[2], (IN_C, HID_C), dtype=jnp.float32) * 0.1
    b1 = jnp.zeros((HID_C,), dtype=jnp.float32)
    W2 = jax.random.normal(ks[3], (HID_C, OUT_C), dtype=jnp.float32) * 0.1
    b2 = jnp.zeros((OUT_C,), dtype=jnp.float32)
    Wa = jax.random.normal(ks[4], (OUT_C, NUM_OUTPUTS), dtype=jnp.float32) * 0.1
    ba = jnp.zeros((NUM_OUTPUTS,), dtype=jnp.float32)
    return {"x": x, "edge_index": edge_index, "W1": W1, "b1": b1, "W2": W2, "b2": b2, "Wa": Wa, "ba": ba}


def _gcn_layer(h, src, dst, norm_src, norm_dst, W, b, n_nodes):
    h = h @ W
    msg = h[src] * norm_src[:, None] * norm_dst[:, None]
    out = jnp.zeros((n_nodes, W.shape[1]), dtype=h.dtype).at[dst].add(msg)
    return out + b


def reference(x, edge_index, W1, b1, W2, b2, Wa, ba):
    n = x.shape[0]
    loop = jnp.arange(n, dtype=edge_index.dtype)
    src = jnp.concatenate([edge_index[0], loop])
    dst = jnp.concatenate([edge_index[1], loop])
    # symmetric GCN normalization with self-loops
    deg = jnp.zeros((n,), dtype=jnp.float32).at[dst].add(1.0)
    norm = jax.lax.rsqrt(jnp.maximum(deg, 1.0))
    ns = norm[src]
    nd = norm[dst]
    # actor encoder: 2-layer GCN + global mean pool
    h = _gcn_layer(x, src, dst, ns, nd, W1, b1, n)
    h = jax.nn.relu(h)
    h = _gcn_layer(h, src, dst, ns, nd, W2, b2, n)
    feat = jnp.mean(h, axis=0)
    logits = feat @ Wa + ba
    # logits.dim() == 1 -> unsqueeze(0)
    return logits[None, :]

if __name__ == "__main__":
    import jax
    _d = setup_inputs()
    print(jax.jit(kernel)(*tuple(_d.values())))

</pallas_src>

<mosaic_0001>
#map = affine_map<(d0, d1) -> (0, 0, 0)>
#map1 = affine_map<(d0, d1) -> (0, 0)>
#map2 = affine_map<(d0, d1) -> (0)>
module attributes {stable_mosaic.version = 14 : i64} {
  func.func @_main_body(%arg0: i32, %arg1: i32, %arg2: memref<2x25000x128xi32, #tpu.memory_space<hbm>>, %arg3: memref<100352x8xf32, #tpu.memory_space<hbm>>, %arg4: memref<100352xf32, #tpu.memory_space<hbm>>, %arg5: memref<6272x8xf32, #tpu.memory_space<hbm>>, %arg6: memref<6272xf32, #tpu.memory_space<hbm>>, %arg7: memref<100352x8xf32, #tpu.memory_space<hbm>>, %arg8: memref<100352x8xf32, #tpu.memory_space<hbm>>, %arg9: memref<100352xf32, #tpu.memory_space<hbm>>, %arg10: memref<100352xf32, #tpu.memory_space<hbm>>, %arg11: memref<3x8x128xi32, #tpu.memory_space<vmem>>, %arg12: memref<3x8x128xi32, #tpu.memory_space<vmem>>, %arg13: memref<4x128x8xf32, #tpu.memory_space<vmem>>, %arg14: memref<4x128xf32, #tpu.memory_space<vmem>>, %arg15: memref<100352x8xf32, #tpu.memory_space<vmem_shared>>, %arg16: memref<100352xf32, #tpu.memory_space<vmem_shared>>, %arg17: memref<3x!tpu.dma_semaphore, #tpu.memory_space<semaphore_mem>>, %arg18: memref<4x!tpu.dma_semaphore, #tpu.memory_space<semaphore_mem>>, %arg19: memref<4x!tpu.dma_semaphore, #tpu.memory_space<semaphore_mem>>) attributes {dimension_semantics = [#tpu.dimension_semantics<core_parallel>, #tpu.dimension_semantics<subcore_parallel>], iteration_bounds = array<i64: 2, 16>, scalar_prefetch = 0 : i64, scratch_operands = 9 : i64, tpu.core_type = #tpu.core_type<sc_vector_subcore>, window_params = [{transform_indices = #map}, {transform_indices = #map1}, {transform_indices = #map2}, {transform_indices = #map1}, {transform_indices = #map2}, {transform_indices = #map1}, {transform_indices = #map1}, {transform_indices = #map2}, {transform_indices = #map2}]} {
    %mul3A = arith.constant 16 : i32
    %mul3A_0 = arith.muli %arg0, %mul3A : i32
    %add3A = arith.addi %mul3A_0, %arg1 : i32
    %mul3A_1 = arith.constant 97 : i32
    %mul3A_2 = arith.muli %add3A, %mul3A_1 : i32
    %min3A = arith.constant 21 : i32
    %min3A_3 = arith.minsi %add3A, %min3A : i32
    %add3A_4 = arith.addi %mul3A_2, %min3A_3 : i32
    %mul3A_5 = arith.constant 8 : i32
    %mul3A_6 = arith.muli %add3A_4, %mul3A_5 : i32
    %lt3A = arith.constant 21 : i32
    %lt3A_7 = arith.cmpi slt, %add3A, %lt3A : i32
    %jit3A = arith.constant 1 : i32
    %jit3A_8 = arith.constant 0 : i32
    %select_n3A = arith.select %lt3A_7, %jit3A, %jit3A_8 : i32
    %add3A_9 = arith.constant 97 : i32
    %add3A_10 = arith.addi %add3A_9, %select_n3A : i32
    %mul3A_11 = arith.constant 8 : i32
    %mul3A_12 = arith.muli %add3A_10, %mul3A_11 : i32
    %mul3A_13 = arith.constant 6272 : i32
    %mul3A_14 = arith.muli %arg1, %mul3A_13 : i32
    "tpu.region"() ({
      %run_scoped3A = tpu.sem_alloc : memref<!tpu.dma_semaphore, #tpu.memory_space<semaphore_mem>>
      %dma_start3A_67 = arith.constant 0 : i32
      %dma_start3A_68 = tpu.memref_slice %arg15[%mul3A_14, %dma_start3A_67] : memref<100352x8xf32, #tpu.memory_space<vmem_shared>> -> memref<6272x8xf32, #tpu.memory_space<vmem_shared>>
      tpu.enqueue_dma source(%arg5 : memref<6272x8xf32, #tpu.memory_space<hbm>>) target(%dma_start3A_68 : memref<6272x8xf32, #tpu.memory_space<vmem_shared>>) target_semaphore(%run_scoped3A : memref<!tpu.dma_semaphore, #tpu.memory_space<semaphore_mem>>)
      %dma_wait3A = arith.constant 0 : i32
      %dma_wait3A_69 = tpu.memref_slice %arg15[%mul3A_14, %dma_wait3A] : memref<100352x8xf32, #tpu.memory_space<vmem_shared>> -> memref<6272x8xf32, #tpu.memory_space<vmem_shared>>
      tpu.wait_dma2 semaphore(%run_scoped3A : memref<!tpu.dma_semaphore, #tpu.memory_space<semaphore_mem>>) src(%arg5 : memref<6272x8xf32, #tpu.memory_space<hbm>>) dst(%dma_wait3A_69 : memref<6272x8xf32, #tpu.memory_space<vmem_shared>>)
      tpu.yield
    }) : () -> ()
    %mul3A_15 = arith.constant 6272 : i32
    %mul3A_16 = arith.muli %arg1, %mul3A_15 : i32
    "tpu.region"() ({
      %run_scoped3A = tpu.sem_alloc : memref<!tpu.dma_semaphore, #tpu.memory_space<semaphore_mem>>
      %dma_start3A_67 = tpu.memref_slice %arg16[%mul3A_16] : memref<100352xf32, #tpu.memory_space<vmem_shared>> -> memref<6272xf32, #tpu.memory_space<vmem_shared>>
      tpu.enqueue_dma source(%arg6 : memref<6272xf32, #tpu.memory_space<hbm>>) target(%dma_start3A_67 : memref<6272xf32, #tpu.memory_space<vmem_shared>>) target_semaphore(%run_scoped3A : memref<!tpu.dma_semaphore, #tpu.memory_space<semaphore_mem>>)
      %dma_wait3A = tpu.memref_slice %arg16[%mul3A_16] : memref<100352xf32, #tpu.memory_space<vmem_shared>> -> memref<6272xf32, #tpu.memory_space<vmem_shared>>
      tpu.wait_dma2 semaphore(%run_scoped3A : memref<!tpu.dma_semaphore, #tpu.memory_space<semaphore_mem>>) src(%arg6 : memref<6272xf32, #tpu.memory_space<hbm>>) dst(%dma_wait3A : memref<6272xf32, #tpu.memory_space<vmem_shared>>)
      tpu.yield
    }) : () -> ()
    %barrier3A = arith.constant 0 : index
    tpu.barrier barrier_id(%barrier3A)
    %dma_start3A = arith.constant 0 : i32
    %dma_start3A_17 = arith.constant 0 : i32
    %dma_start3A_18 = arith.constant 0 : i32
    %dma_start3A_19 = arith.constant 0 : i32
    %dma_start3A_20 = arith.constant 0 : i32
    %dma_start3A_21 = tpu.memref_slice %arg11[%dma_start3A_17, %dma_start3A_19, %dma_start3A_20] : memref<3x8x128xi32, #tpu.memory_space<vmem>> -> memref<1x8x128xi32, #tpu.memory_space<vmem>>
    %dma_start3A_22 = tpu.memref_squeeze %dma_start3A_21 : memref<1x8x128xi32, #tpu.memory_space<vmem>> -> memref<8x128xi32, #tpu.memory_space<vmem>>
    %dma_start3A_23 = arith.constant 0 : i32
    %dma_start3A_24 = tpu.memref_slice %arg2[%dma_start3A, %mul3A_6, %dma_start3A_23] : memref<2x25000x128xi32, #tpu.memory_space<hbm>> -> memref<1x8x128xi32, #tpu.memory_space<hbm>>
    %dma_start3A_25 = tpu.memref_squeeze %dma_start3A_24 : memref<1x8x128xi32, #tpu.memory_space<hbm>> -> memref<8x128xi32, #tpu.memory_space<hbm>>
    %dma_start3A_26 = tpu.memref_slice %arg17[%dma_start3A_18] : memref<3x!tpu.dma_semaphore, #tpu.memory_space<semaphore_mem>> -> memref<1x!tpu.dma_semaphore, #tpu.memory_space<semaphore_mem>>
    %dma_start3A_27 = tpu.memref_squeeze %dma_start3A_26 : memref<1x!tpu.dma_semaphore, #tpu.memory_space<semaphore_mem>> -> memref<!tpu.dma_semaphore, #tpu.memory_space<semaphore_mem>>
    %dma_start3A_28 = arith.constant 0 : i32
    %dma_start3A_29 = arith.constant 0 : i32
    %dma_start3A_30 = tpu.memref_slice %arg11[%dma_start3A_17, %dma_start3A_28, %dma_start3A_29] : memref<3x8x128xi32, #tpu.memory_space<vmem>> -> memref<1x8x128xi32, #tpu.memory_space<vmem>>
    %dma_start3A_31 = tpu.memref_squeeze %dma_start3A_30 : memref<1x8x128xi32, #tpu.memory_space<vmem>> -> memref<8x128xi32, #tpu.memory_space<vmem>>
    %dma_start3A_32 = arith.constant 0 : i32
    %dma_start3A_33 = tpu.memref_slice %arg2[%dma_start3A, %mul3A_6, %dma_start3A_32] : memref<2x25000x128xi32, #tpu.memory_space<hbm>> -> memref<1x8x128xi32, #tpu.memory_space<hbm>>
    %dma_start3A_34 = tpu.memref_squeeze %dma_start3A_33 : memref<1x8x128xi32, #tpu.memory_space<hbm>> -> memref<8x128xi32, #tpu.memory_space<hbm>>
    tpu.enqueue_dma source(%dma_start3A_34 : memref<8x128xi32, #tpu.memory_space<hbm>>) target(%dma_start3A_31 : memref<8x128xi32, #tpu.memory_space<vmem>>) target_semaphore(%dma_start3A_27 : memref<!tpu.dma_semaphore, #tpu.memory_space<semaphore_mem>>)
    %dma_start3A_35 = arith.constant 1 : i32
    %dma_start3A_36 = arith.constant 0 : i32
    %dma_start3A_37 = arith.constant 0 : i32
    %dma_start3A_38 = arith.constant 0 : i32
    %dma_start3A_39 = arith.constant 0 : i32
    %dma_start3A_40 = tpu.memref_slice %arg12[%dma_start3A_36, %dma_start3A_38, %dma_start3A_39] : memref<3x8x128xi32, #tpu.memory_space<vmem>> -> memref<1x8x128xi32, #tpu.memory_space<vmem>>
    %dma_start3A_41 = tpu.memref_squeeze %dma_start3A_40 : memref<1x8x128xi32, #tpu.memory_space<vmem>> -> memref<8x128xi32, #tpu.memory_space<vmem>>
    %dma_start3A_42 = arith.constant 0 : i32
    %dma_start3A_43 = tpu.memref_slice %arg2[%dma_start3A_35, %mul3A_6, %dma_start3A_42] : memref<2x25000x128xi32, #tpu.memory_space<hbm>> -> memref<1x8x128xi32, #tpu.memory_space<hbm>>
    %dma_start3A_44 = tpu.memref_squeeze %dma_start3A_43 : memref<1x8x128xi32, #tpu.memory_space<hbm>> -> memref<8x128xi32, #tpu.memory_space<hbm>>
    %dma_start3A_45 = tpu.memref_slice %arg17[%dma_start3A_37] : memref<3x!tpu.dma_semaphore, #tpu.memory_space<semaphore_mem>> -> memref<1x!tpu.dma_semaphore, #tpu.memory_space<semaphore_mem>>
    %dma_start3A_46 = tpu.memref_squeeze %dma_start3A_45 : memref<1x!tpu.dma_semaphore, #tpu.memory_space<semaphore_mem>> -> memref<!tpu.dma_semaphore, #tpu.memory_space<semaphore_mem>>
    %dma_start3A_47 = arith.constant 0 : i32
    %dma_start3A_48 = arith.constant 0 : i32
    %dma_start3A_49 = tpu.memref_slice %arg12[%dma_start3A_36, %dma_start3A_47, %dma_start3A_48] : memref<3x8x128xi32, #tpu.memory_space<vmem>> -> memref<1x8x128xi32, #tpu.memory_space<vmem>>
    %dma_start3A_50 = tpu.memref_squeeze %dma_start3A_49 : memref<1x8x128xi32, #tpu.memory_space<vmem>> -> memref<8x128xi32, #tpu.memory_space<vmem>>
    %dma_start3A_51 = arith.constant 0 : i32
    %dma_start3A_52 = tpu.memref_slice %arg2[%dma_start3A_35, %mul3A_6, %dma_start3A_51] : memref<2x25000x128xi32, #tpu.memory_space<hbm>> -> memref<1x8x128xi32, #tpu.memory_space<hbm>>
    %dma_start3A_53 = tpu.memref_squeeze %dma_start3A_52 : memref<1x8x128xi32, #tpu.memory_space<hbm>> -> memref<8x128xi32, #tpu.memory_space<hbm>>
    tpu.enqueue_dma source(%dma_start3A_53 : memref<8x128xi32, #tpu.memory_space<hbm>>) target(%dma_start3A_50 : memref<8x128xi32, #tpu.memory_space<vmem>>) target_semaphore(%dma_start3A_46 : memref<!tpu.dma_semaphore, #tpu.memory_space<semaphore_mem>>)
    %scan3A = arith.constant 0 : i32
    %scan3A_54 = arith.constant 0 : i32
    %scan3A_55 = arith.constant 786 : i32
    %scan3A_56 = arith.addi %scan3A_54, %scan3A_55 : i32
    %scan3A_57 = arith.constant 1 : i32
    scf.for %scan3A_67 = %scan3A_54 to %scan3A_56 step %scan3A_57  : i32 {
      %div3A = arith.constant 8 : i32
      %div3A_68 = arith.divsi %scan3A_67, %div3A : i32
      %rem3A = arith.constant 3 : i32
      %rem3A_69 = arith.remsi %div3A_68, %rem3A : i32
      %rem3A_70 = arith.constant 8 : i32
      %rem3A_71 = arith.remsi %scan3A_67, %rem3A_70 : i32
      %eq3A_72 = arith.constant 0 : i32
      %eq3A_73 = arith.cmpi eq, %rem3A_71, %eq3A_72 : i32
      %add3A_74 = arith.constant 8 : i32
      %add3A_75 = arith.addi %scan3A_67, %add3A_74 : i32
      %lt3A_76 = arith.cmpi slt, %add3A_75, %mul3A_12 : i32
      %and3A = arith.andi %eq3A_73, %lt3A_76 : i1
      %convert_element_type3A_77 = arith.extui %and3A : i1 to i32
      %cond3A_78 = arith.constant 0 : i32
      %cond3A_79 = arith.cmpi ne, %convert_element_type3A_77, %cond3A_78 : i32
      scf.if %cond3A_79 {
        %div3A_98 = arith.constant 8 : i32
        %div3A_99 = arith.divsi %scan3A_67, %div3A_98 : i32
        %add3A_100 = arith.constant 1 : i32
        %add3A_101 = arith.addi %div3A_99, %add3A_100 : i32
        %rem3A_102 = arith.constant 3 : i32
        %rem3A_103 = arith.remsi %add3A_101, %rem3A_102 : i32
        %add3A_104 = arith.addi %mul3A_6, %scan3A_67 : i32
        %add3A_105 = arith.constant 8 : i32
        %add3A_106 = arith.addi %add3A_104, %add3A_105 : i32
        %dma_start3A_107 = arith.constant 0 : i32
        %dma_start3A_108 = arith.constant 0 : i32
        %dma_start3A_109 = arith.constant 0 : i32
        %dma_start3A_110 = tpu.memref_slice %arg11[%rem3A_103, %dma_start3A_108, %dma_start3A_109] : memref<3x8x128xi32, #tpu.memory_space<vmem>> -> memref<1x8x128xi32, #tpu.memory_space<vmem>>
        %dma_start3A_111 = tpu.memref_squeeze %dma_start3A_110 : memref<1x8x128xi32, #tpu.memory_space<vmem>> -> memref<8x128xi32, #tpu.memory_space<vmem>>
        %dma_start3A_112 = arith.constant 0 : i32
        %dma_start3A_113 = tpu.memref_slice %arg2[%dma_start3A_107, %add3A_106, %dma_start3A_112] : memref<2x25000x128xi32, #tpu.memory_space<hbm>> -> memref<1x8x128xi32, #tpu.memory_space<hbm>>
        %dma_start3A_114 = tpu.memref_squeeze %dma_start3A_113 : memref<1x8x128xi32, #tpu.memory_space<hbm>> -> memref<8x128xi32, #tpu.memory_space<hbm>>
        %dma_start3A_115 = tpu.memref_slice %arg17[%rem3A_103] : memref<3x!tpu.dma_semaphore, #tpu.memory_space<semaphore_mem>> -> memref<1x!tpu.dma_semaphore, #tpu.memory_space<semaphore_mem>>
        %dma_start3A_116 = tpu.memref_squeeze %dma_start3A_115 : memref<1x!tpu.dma_semaphore, #tpu.memory_space<semaphore_mem>> -> memref<!tpu.dma_semaphore, #tpu.memory_space<semaphore_mem>>
        %dma_start3A_117 = arith.constant 0 : i32
        %dma_start3A_118 = arith.constant 0 : i32
        %dma_start3A_119 = tpu.memref_slice %arg11[%rem3A_103, %dma_start3A_117, %dma_start3A_118] : memref<3x8x128xi32, #tpu.memory_space<vmem>> -> memref<1x8x128xi32, #tpu.memory_space<vmem>>
        %dma_start3A_120 = tpu.memref_squeeze %dma_start3A_119 : memref<1x8x128xi32, #tpu.memory_space<vmem>> -> memref<8x128xi32, #tpu.memory_space<vmem>>
        %dma_start3A_121 = arith.constant 0 : i32
        %dma_start3A_122 = tpu.memref_slice %arg2[%dma_start3A_107, %add3A_106, %dma_start3A_121] : memref<2x25000x128xi32, #tpu.memory_space<hbm>> -> memref<1x8x128xi32, #tpu.memory_space<hbm>>
        %dma_start3A_123 = tpu.memref_squeeze %dma_start3A_122 : memref<1x8x128xi32, #tpu.memory_space<hbm>> -> memref<8x128xi32, #tpu.memory_space<hbm>>
        tpu.enqueue_dma source(%dma_start3A_123 : memref<8x128xi32, #tpu.memory_space<hbm>>) target(%dma_start3A_120 : memref<8x128xi32, #tpu.memory_space<vmem>>) target_semaphore(%dma_start3A_116 : memref<!tpu.dma_semaphore, #tpu.memory_space<semaphore_mem>>)
        %add3A_124 = arith.addi %mul3A_6, %scan3A_67 : i32
        %add3A_125 = arith.constant 8 : i32
        %add3A_126 = arith.addi %add3A_124, %add3A_125 : i32
        %dma_start3A_127 = arith.constant 1 : i32
        %dma_start3A_128 = arith.constant 0 : i32
        %dma_start3A_129 = arith.constant 0 : i32
        %dma_start3A_130 = tpu.memref_slice %arg12[%rem3A_103, %dma_start3A_128, %dma_start3A_129] : memref<3x8x128xi32, #tpu.memory_space<vmem>> -> memref<1x8x128xi32, #tpu.memory_space<vmem>>
        %dma_start3A_131 = tpu.memref_squeeze %dma_start3A_130 : memref<1x8x128xi32, #tpu.memory_space<vmem>> -> memref<8x128xi32, #tpu.memory_space<vmem>>
        %dma_start3A_132 = arith.constant 0 : i32
        %dma_start3A_133 = tpu.memref_slice %arg2[%dma_start3A_127, %add3A_126, %dma_start3A_132] : memref<2x25000x128xi32, #tpu.memory_space<hbm>> -> memref<1x8x128xi32, #tpu.memory_space<hbm>>
        %dma_start3A_134 = tpu.memref_squeeze %dma_start3A_133 : memref<1x8x128xi32, #tpu.memory_space<hbm>> -> memref<8x128xi32, #tpu.memory_space<hbm>>
        %dma_start3A_135 = tpu.memref_slice %arg17[%rem3A_103] : memref<3x!tpu.dma_semaphore, #tpu.memory_space<semaphore_mem>> -> memref<1x!tpu.dma_semaphore, #tpu.memory_space<semaphore_mem>>
        %dma_start3A_136 = tpu.memref_squeeze %dma_start3A_135 : memref<1x!tpu.dma_semaphore, #tpu.memory_space<semaphore_mem>> -> memref<!tpu.dma_semaphore, #tpu.memory_space<semaphore_mem>>
        %dma_start3A_137 = arith.constant 0 : i32
        %dma_start3A_138 = arith.constant 0 : i32
        %dma_start3A_139 = tpu.memref_slice %arg12[%rem3A_103, %dma_start3A_137, %dma_start3A_138] : memref<3x8x128xi32, #tpu.memory_space<vmem>> -> memref<1x8x128xi32, #tpu.memory_space<vmem>>
        %dma_start3A_140 = tpu.memref_squeeze %dma_start3A_139 : memref<1x8x128xi32, #tpu.memory_space<vmem>> -> memref<8x128xi32, #tpu.memory_space<vmem>>
        %dma_start3A_141 = arith.constant 0 : i32
        %dma_start3A_142 = tpu.memref_slice %arg2[%dma_start3A_127, %add3A_126, %dma_start3A_141] : memref<2x25000x128xi32, #tpu.memory_space<hbm>> -> memref<1x8x128xi32, #tpu.memory_space<hbm>>
        %dma_start3A_143 = tpu.memref_squeeze %dma_start3A_142 : memref<1x8x128xi32, #tpu.memory_space<hbm>> -> memref<8x128xi32, #tpu.memory_space<hbm>>
        tpu.enqueue_dma source(%dma_start3A_143 : memref<8x128xi32, #tpu.memory_space<hbm>>) target(%dma_start3A_140 : memref<8x128xi32, #tpu.memory_space<vmem>>) target_semaphore(%dma_start3A_136 : memref<!tpu.dma_semaphore, #tpu.memory_space<semaphore_mem>>)
      } else {
      }
      %eq3A_80 = arith.constant 0 : i32
      %eq3A_81 = arith.cmpi eq, %rem3A_71, %eq3A_80 : i32
      %lt3A_82 = arith.cmpi slt, %scan3A_67, %mul3A_12 : i32
      %and3A_83 = arith.andi %eq3A_81, %lt3A_82 : i1
      %convert_element_type3A_84 = arith.extui %and3A_83 : i1 to i32
      %cond3A_85 = arith.constant 0 : i32
      %cond3A_86 = arith.cmpi ne, %convert_element_type3A_84, %cond3A_85 : i32
      scf.if %cond3A_86 {
        %add3A_98 = arith.addi %mul3A_6, %scan3A_67 : i32
        %dma_wait3A = arith.constant 0 : i32
        %dma_wait3A_99 = arith.constant 0 : i32
        %dma_wait3A_100 = arith.constant 0 : i32
        %dma_wait3A_101 = tpu.memref_slice %arg11[%rem3A_69, %dma_wait3A_99, %dma_wait3A_100] : memref<3x8x128xi32, #tpu.memory_space<vmem>> -> memref<1x8x128xi32, #tpu.memory_space<vmem>>
        %dma_wait3A_102 = tpu.memref_squeeze %dma_wait3A_101 : memref<1x8x128xi32, #tpu.memory_space<vmem>> -> memref<8x128xi32, #tpu.memory_space<vmem>>
        %dma_wait3A_103 = arith.constant 0 : i32
        %dma_wait3A_104 = tpu.memref_slice %arg2[%dma_wait3A, %add3A_98, %dma_wait3A_103] : memref<2x25000x128xi32, #tpu.memory_space<hbm>> -> memref<1x8x128xi32, #tpu.memory_space<hbm>>
        %dma_wait3A_105 = tpu.memref_squeeze %dma_wait3A_104 : memref<1x8x128xi32, #tpu.memory_space<hbm>> -> memref<8x128xi32, #tpu.memory_space<hbm>>
        %dma_wait3A_106 = tpu.memref_slice %arg17[%rem3A_69] : memref<3x!tpu.dma_semaphore, #tpu.memory_space<semaphore_mem>> -> memref<1x!tpu.dma_semaphore, #tpu.memory_space<semaphore_mem>>
        %dma_wait3A_107 = tpu.memref_squeeze %dma_wait3A_106 : memref<1x!tpu.dma_semaphore, #tpu.memory_space<semaphore_mem>> -> memref<!tpu.dma_semaphore, #tpu.memory_space<semaphore_mem>>
        %dma_wait3A_108 = arith.constant 0 : i32
        %dma_wait3A_109 = arith.constant 0 : i32
        %dma_wait3A_110 = tpu.memref_slice %arg11[%rem3A_69, %dma_wait3A_108, %dma_wait3A_109] : memref<3x8x128xi32, #tpu.memory_space<vmem>> -> memref<1x8x128xi32, #tpu.memory_space<vmem>>
        %dma_wait3A_111 = tpu.memref_squeeze %dma_wait3A_110 : memref<1x8x128xi32, #tpu.memory_space<vmem>> -> memref<8x128xi32, #tpu.memory_space<vmem>>
        %dma_wait3A_112 = arith.constant 0 : i32
        %dma_wait3A_113 = tpu.memref_slice %arg2[%dma_wait3A, %add3A_98, %dma_wait3A_112] : memref<2x25000x128xi32, #tpu.memory_space<hbm>> -> memref<1x8x128xi32, #tpu.memory_space<hbm>>
        %dma_wait3A_114 = tpu.memref_squeeze %dma_wait3A_113 : memref<1x8x128xi32, #tpu.memory_space<hbm>> -> memref<8x128xi32, #tpu.memory_space<hbm>>
        tpu.wait_dma2 semaphore(%dma_wait3A_107 : memref<!tpu.dma_semaphore, #tpu.memory_space<semaphore_mem>>) src(%dma_wait3A_114 : memref<8x128xi32, #tpu.memory_space<hbm>>) dst(%dma_wait3A_111 : memref<8x128xi32, #tpu.memory_space<vmem>>)
        %add3A_115 = arith.addi %mul3A_6, %scan3A_67 : i32
        %dma_wait3A_116 = arith.constant 1 : i32
        %dma_wait3A_117 = arith.constant 0 : i32
        %dma_wait3A_118 = arith.constant 0 : i32
        %dma_wait3A_119 = tpu.memref_slice %arg12[%rem3A_69, %dma_wait3A_117, %dma_wait3A_118] : memref<3x8x128xi32, #tpu.memory_space<vmem>> -> memref<1x8x128xi32, #tpu.memory_space<vmem>>
        %dma_wait3A_120 = tpu.memref_squeeze %dma_wait3A_119 : memref<1x8x128xi32, #tpu.memory_space<vmem>> -> memref<8x128xi32, #tpu.memory_space<vmem>>
        %dma_wait3A_121 = arith.constant 0 : i32
        %dma_wait3A_122 = tpu.memref_slice %arg2[%dma_wait3A_116, %add3A_115, %dma_wait3A_121] : memref<2x25000x128xi32, #tpu.memory_space<hbm>> -> memref<1x8x128xi32, #tpu.memory_space<hbm>>
        %dma_wait3A_123 = tpu.memref_squeeze %dma_wait3A_122 : memref<1x8x128xi32, #tpu.memory_space<hbm>> -> memref<8x128xi32, #tpu.memory_space<hbm>>
        %dma_wait3A_124 = tpu.memref_slice %arg17[%rem3A_69] : memref<3x!tpu.dma_semaphore, #tpu.memory_space<semaphore_mem>> -> memref<1x!tpu.dma_semaphore, #tpu.memory_space<semaphore_mem>>
        %dma_wait3A_125 = tpu.memref_squeeze %dma_wait3A_124 : memref<1x!tpu.dma_semaphore, #tpu.memory_space<semaphore_mem>> -> memref<!tpu.dma_semaphore, #tpu.memory_space<semaphore_mem>>
        %dma_wait3A_126 = arith.constant 0 : i32
        %dma_wait3A_127 = arith.constant 0 : i32
        %dma_wait3A_128 = tpu.memref_slice %arg12[%rem3A_69, %dma_wait3A_126, %dma_wait3A_127] : memref<3x8x128xi32, #tpu.memory_space<vmem>> -> memref<1x8x128xi32, #tpu.memory_space<vmem>>
        %dma_wait3A_129 = tpu.memref_squeeze %dma_wait3A_128 : memref<1x8x128xi32, #tpu.memory_space<vmem>> -> memref<8x128xi32, #tpu.memory_space<vmem>>
        %dma_wait3A_130 = arith.constant 0 : i32
        %dma_wait3A_131 = tpu.memref_slice %arg2[%dma_wait3A_116, %add3A_115, %dma_wait3A_130] : memref<2x25000x128xi32, #tpu.memory_space<hbm>> -> memref<1x8x128xi32, #tpu.memory_space<hbm>>
        %dma_wait3A_132 = tpu.memref_squeeze %dma_wait3A_131 : memref<1x8x128xi32, #tpu.memory_space<hbm>> -> memref<8x128xi32, #tpu.memory_space<hbm>>
        tpu.wait_dma2 semaphore(%dma_wait3A_125 : memref<!tpu.dma_semaphore, #tpu.memory_space<semaphore_mem>>) src(%dma_wait3A_132 : memref<8x128xi32, #tpu.memory_space<hbm>>) dst(%dma_wait3A_129 : memref<8x128xi32, #tpu.memory_space<vmem>>)
      } else {
      }
      %ge3A = arith.constant 2 : i32
      %ge3A_87 = arith.cmpi sge, %scan3A_67, %ge3A : i32
      %sub3A = arith.constant 2 : i32
      %sub3A_88 = arith.subi %scan3A_67, %sub3A : i32
      %lt3A_89 = arith.cmpi slt, %sub3A_88, %mul3A_12 : i32
      %and3A_90 = arith.andi %ge3A_87, %lt3A_89 : i1
      %convert_element_type3A_91 = arith.extui %and3A_90 : i1 to i32
      %cond3A_92 = arith.constant 0 : i32
      %cond3A_93 = arith.cmpi ne, %convert_element_type3A_91, %cond3A_92 : i32
      scf.if %cond3A_93 {
        %sub3A_98 = arith.constant 2 : i32
        %sub3A_99 = arith.subi %scan3A_67, %sub3A_98 : i32
        %rem3A_100 = arith.constant 4 : i32
        %rem3A_101 = arith.remsi %sub3A_99, %rem3A_100 : i32
        %div3A_102 = arith.constant 8 : i32
        %div3A_103 = arith.divsi %sub3A_99, %div3A_102 : i32
        %rem3A_104 = arith.constant 3 : i32
        %rem3A_105 = arith.remsi %div3A_103, %rem3A_104 : i32
        %rem3A_106 = arith.constant 8 : i32
        %rem3A_107 = arith.remsi %sub3A_99, %rem3A_106 : i32
        %dma_wait3A = arith.constant 0 : i32
        %dma_wait3A_108 = arith.constant 0 : i32
        %dma_wait3A_109 = tpu.memref_slice %arg13[%rem3A_101, %dma_wait3A, %dma_wait3A_108] : memref<4x128x8xf32, #tpu.memory_space<vmem>> -> memref<1x128x8xf32, #tpu.memory_space<vmem>>
        %dma_wait3A_110 = tpu.memref_squeeze %dma_wait3A_109 : memref<1x128x8xf32, #tpu.memory_space<vmem>> -> memref<128x8xf32, #tpu.memory_space<vmem>>
        %dma_wait3A_111 = arith.constant 0 : i32
        %dma_wait3A_112 = tpu.memref_slice %arg11[%rem3A_105, %rem3A_107, %dma_wait3A_111] : memref<3x8x128xi32, #tpu.memory_space<vmem>> -> memref<1x1x128xi32, #tpu.memory_space<vmem>>
        %dma_wait3A_113 = tpu.memref_squeeze %dma_wait3A_112 : memref<1x1x128xi32, #tpu.memory_space<vmem>> -> memref<128xi32, #tpu.memory_space<vmem>>
        %dma_wait3A_114 = arith.constant 0 : i32
        %dma_wait3A_115 = arith.constant 0 : i32
        %dma_wait3A_116 = tpu.memref_slice %arg3[%dma_wait3A_114, %dma_wait3A_115] : memref<100352x8xf32, #tpu.memory_space<hbm>> -> memref<100352x8xf32, #tpu.memory_space<hbm>>
        %dma_wait3A_117 = tpu.memref_slice %arg18[%rem3A_101] : memref<4x!tpu.dma_semaphore, #tpu.memory_space<semaphore_mem>> -> memref<1x!tpu.dma_semaphore, #tpu.memory_space<semaphore_mem>>
        %dma_wait3A_118 = tpu.memref_squeeze %dma_wait3A_117 : memref<1x!tpu.dma_semaphore, #tpu.memory_space<semaphore_mem>> -> memref<!tpu.dma_semaphore, #tpu.memory_space<semaphore_mem>>
        tpu.wait_indirect_dma semaphore(%dma_wait3A_118 : memref<!tpu.dma_semaphore, #tpu.memory_space<semaphore_mem>>) src(%dma_wait3A_116 : memref<100352x8xf32, #tpu.memory_space<hbm>>) dst(%dma_wait3A_110 : memref<128x8xf32, #tpu.memory_space<vmem>>)
        %dma_wait3A_119 = arith.constant 0 : i32
        %dma_wait3A_120 = tpu.memref_slice %arg14[%rem3A_101, %dma_wait3A_119] : memref<4x128xf32, #tpu.memory_space<vmem>> -> memref<1x128xf32, #tpu.memory_space<vmem>>
        %dma_wait3A_121 = tpu.memref_squeeze %dma_wait3A_120 : memref<1x128xf32, #tpu.memory_space<vmem>> -> memref<128xf32, #tpu.memory_space<vmem>>
        %dma_wait3A_122 = arith.constant 0 : i32
        %dma_wait3A_123 = tpu.memref_slice %arg12[%rem3A_105, %rem3A_107, %dma_wait3A_122] : memref<3x8x128xi32, #tpu.memory_space<vmem>> -> memref<1x1x128xi32, #tpu.memory_space<vmem>>
        %dma_wait3A_124 = tpu.memref_squeeze %dma_wait3A_123 : memref<1x1x128xi32, #tpu.memory_space<vmem>> -> memref<128xi32, #tpu.memory_space<vmem>>
        %dma_wait3A_125 = arith.constant 0 : i32
        %dma_wait3A_126 = tpu.memref_slice %arg4[%dma_wait3A_125] : memref<100352xf32, #tpu.memory_space<hbm>> -> memref<100352xf32, #tpu.memory_space<hbm>>
        %dma_wait3A_127 = tpu.memref_slice %arg18[%rem3A_101] : memref<4x!tpu.dma_semaphore, #tpu.memory_space<semaphore_mem>> -> memref<1x!tpu.dma_semaphore, #tpu.memory_space<semaphore_mem>>
        %dma_wait3A_128 = tpu.memref_squeeze %dma_wait3A_127 : memref<1x!tpu.dma_semaphore, #tpu.memory_space<semaphore_mem>> -> memref<!tpu.dma_semaphore, #tpu.memory_space<semaphore_mem>>
        tpu.wait_indirect_dma semaphore(%dma_wait3A_128 : memref<!tpu.dma_semaphore, #tpu.memory_space<semaphore_mem>>) src(%dma_wait3A_126 : memref<100352xf32, #tpu.memory_space<hbm>>) dst(%dma_wait3A_121 : memref<128xf32, #tpu.memory_space<vmem>>)
        %dma_start3A_129 = arith.constant 0 : i32
        %dma_start3A_130 = arith.constant 0 : i32
        %dma_start3A_131 = tpu.memref_slice %arg13[%rem3A_101, %dma_start3A_129, %dma_start3A_130] : memref<4x128x8xf32, #tpu.memory_space<vmem>> -> memref<1x128x8xf32, #tpu.memory_space<vmem>>
        %dma_start3A_132 = tpu.memref_squeeze %dma_start3A_131 : memref<1x128x8xf32, #tpu.memory_space<vmem>> -> memref<128x8xf32, #tpu.memory_space<vmem>>
        %dma_start3A_133 = arith.constant 0 : i32
        %dma_start3A_134 = tpu.memref_slice %arg12[%rem3A_105, %rem3A_107, %dma_start3A_133] : memref<3x8x128xi32, #tpu.memory_space<vmem>> -> memref<1x1x128xi32, #tpu.memory_space<vmem>>
        %dma_start3A_135 = tpu.memref_squeeze %dma_start3A_134 : memref<1x1x128xi32, #tpu.memory_space<vmem>> -> memref<128xi32, #tpu.memory_space<vmem>>
        %dma_start3A_136 = arith.constant 0 : i32
        %dma_start3A_137 = arith.constant 0 : i32
        %dma_start3A_138 = tpu.memref_slice %arg15[%dma_start3A_136, %dma_start3A_137] : memref<100352x8xf32, #tpu.memory_space<vmem_shared>> -> memref<100352x8xf32, #tpu.memory_space<vmem_shared>>
        %dma_start3A_139 = tpu.memref_slice %arg19[%rem3A_101] : memref<4x!tpu.dma_semaphore, #tpu.memory_space<semaphore_mem>> -> memref<1x!tpu.dma_semaphore, #tpu.memory_space<semaphore_mem>>
        %dma_start3A_140 = tpu.memref_squeeze %dma_start3A_139 : memref<1x!tpu.dma_semaphore, #tpu.memory_space<semaphore_mem>> -> memref<!tpu.dma_semaphore, #tpu.memory_space<semaphore_mem>>
        tpu.enqueue_indirect_dma source(%dma_start3A_132 : memref<128x8xf32, #tpu.memory_space<vmem>>) target(%dma_start3A_138 : memref<100352x8xf32, #tpu.memory_space<vmem_shared>>) offsets(%dma_start3A_135 : memref<128xi32, #tpu.memory_space<vmem>>) semaphore(%dma_start3A_140 : memref<!tpu.dma_semaphore, #tpu.memory_space<semaphore_mem>>) {add = true}
        %dma_wait3A_141 = arith.constant 0 : i32
        %dma_wait3A_142 = arith.constant 0 : i32
        %dma_wait3A_143 = tpu.memref_slice %arg13[%rem3A_101, %dma_wait3A_141, %dma_wait3A_142] : memref<4x128x8xf32, #tpu.memory_space<vmem>> -> memref<1x128x8xf32, #tpu.memory_space<vmem>>
        %dma_wait3A_144 = tpu.memref_squeeze %dma_wait3A_143 : memref<1x128x8xf32, #tpu.memory_space<vmem>> -> memref<128x8xf32, #tpu.memory_space<vmem>>
        %dma_wait3A_145 = arith.constant 0 : i32
        %dma_wait3A_146 = tpu.memref_slice %arg12[%rem3A_105, %rem3A_107, %dma_wait3A_145] : memref<3x8x128xi32, #tpu.memory_space<vmem>> -> memref<1x1x128xi32, #tpu.memory_space<vmem>>
        %dma_wait3A_147 = tpu.memref_squeeze %dma_wait3A_146 : memref<1x1x128xi32, #tpu.memory_space<vmem>> -> memref<128xi32, #tpu.memory_space<vmem>>
        %dma_wait3A_148 = arith.constant 0 : i32
        %dma_wait3A_149 = arith.constant 0 : i32
        %dma_wait3A_150 = tpu.memref_slice %arg15[%dma_wait3A_148, %dma_wait3A_149] : memref<100352x8xf32, #tpu.memory_space<vmem_shared>> -> memref<100352x8xf32, #tpu.memory_space<vmem_shared>>
        %dma_wait3A_151 = tpu.memref_slice %arg19[%rem3A_101] : memref<4x!tpu.dma_semaphore, #tpu.memory_space<semaphore_mem>> -> memref<1x!tpu.dma_semaphore, #tpu.memory_space<semaphore_mem>>
        %dma_wait3A_152 = tpu.memref_squeeze %dma_wait3A_151 : memref<1x!tpu.dma_semaphore, #tpu.memory_space<semaphore_mem>> -> memref<!tpu.dma_semaphore, #tpu.memory_space<semaphore_mem>>
        tpu.wait_indirect_dma semaphore(%dma_wait3A_152 : memref<!tpu.dma_semaphore, #tpu.memory_space<semaphore_mem>>) src(%dma_wait3A_144 : memref<128x8xf32, #tpu.memory_space<vmem>>) dst(%dma_wait3A_150 : memref<100352x8xf32, #tpu.memory_space<vmem_shared>>)
        "tpu.region"() ({
          %run_scoped3A = tpu.sem_alloc : memref<!tpu.dma_semaphore, #tpu.memory_space<semaphore_mem>>
          %dma_start3A_153 = arith.constant 0 : i32
          %dma_start3A_154 = tpu.memref_slice %arg14[%rem3A_101, %dma_start3A_153] : memref<4x128xf32, #tpu.memory_space<vmem>> -> memref<1x128xf32, #tpu.memory_space<vmem>>
          %dma_start3A_155 = tpu.memref_squeeze %dma_start3A_154 : memref<1x128xf32, #tpu.memory_space<vmem>> -> memref<128xf32, #tpu.memory_space<vmem>>
          %dma_start3A_156 = arith.constant 0 : i32
          %dma_start3A_157 = tpu.memref_slice %arg11[%rem3A_105, %rem3A_107, %dma_start3A_156] : memref<3x8x128xi32, #tpu.memory_space<vmem>> -> memref<1x1x128xi32, #tpu.memory_space<vmem>>
          %dma_start3A_158 = tpu.memref_squeeze %dma_start3A_157 : memref<1x1x128xi32, #tpu.memory_space<vmem>> -> memref<128xi32, #tpu.memory_space<vmem>>
          %dma_start3A_159 = arith.constant 0 : i32
          %dma_start3A_160 = tpu.memref_slice %arg16[%dma_start3A_159] : memref<100352xf32, #tpu.memory_space<vmem_shared>> -> memref<100352xf32, #tpu.memory_space<vmem_shared>>
          tpu.enqueue_indirect_dma source(%dma_start3A_155 : memref<128xf32, #tpu.memory_space<vmem>>) target(%dma_start3A_160 : memref<100352xf32, #tpu.memory_space<vmem_shared>>) offsets(%dma_start3A_158 : memref<128xi32, #tpu.memory_space<vmem>>) semaphore(%run_scoped3A : memref<!tpu.dma_semaphore, #tpu.memory_space<semaphore_mem>>) {add = true}
          %dma_wait3A_161 = arith.constant 0 : i32
          %dma_wait3A_162 = tpu.memref_slice %arg14[%rem3A_101, %dma_wait3A_161] : memref<4x128xf32, #tpu.memory_space<vmem>> -> memref<1x128xf32, #tpu.memory_space<vmem>>
          %dma_wait3A_163 = tpu.memref_squeeze %dma_wait3A_162 : memref<1x128xf32, #tpu.memory_space<vmem>> -> memref<128xf32, #tpu.memory_space<vmem>>
          %dma_wait3A_164 = arith.constant 0 : i32
          %dma_wait3A_165 = tpu.memref_slice %arg11[%rem3A_105, %rem3A_107, %dma_wait3A_164] : memref<3x8x128xi32, #tpu.memory_space<vmem>> -> memref<1x1x128xi32, #tpu.memory_space<vmem>>
          %dma_wait3A_166 = tpu.memref_squeeze %dma_wait3A_165 : memref<1x1x128xi32, #tpu.memory_space<vmem>> -> memref<128xi32, #tpu.memory_space<vmem>>
          %dma_wait3A_167 = arith.constant 0 : i32
          %dma_wait3A_168 = tpu.memref_slice %arg16[%dma_wait3A_167] : memref<100352xf32, #tpu.memory_space<vmem_shared>> -> memref<100352xf32, #tpu.memory_space<vmem_shared>>
          tpu.wait_indirect_dma semaphore(%run_scoped3A : memref<!tpu.dma_semaphore, #tpu.memory_space<semaphore_mem>>) src(%dma_wait3A_163 : memref<128xf32, #tpu.memory_space<vmem>>) dst(%dma_wait3A_168 : memref<100352xf32, #tpu.memory_space<vmem_shared>>)
          tpu.yield
        }) : () -> ()
      } else {
      }
      %lt3A_94 = arith.cmpi slt, %scan3A_67, %mul3A_12 : i32
      %convert_element_type3A_95 = arith.extui %lt3A_94 : i1 to i32
      %cond3A_96 = arith.constant 0 : i32
      %cond3A_97 = arith.cmpi ne, %convert_element_type3A_95, %cond3A_96 : i32
      scf.if %cond3A_97 {
        %rem3A_98 = arith.constant 4 : i32
        %rem3A_99 = arith.remsi %scan3A_67, %rem3A_98 : i32
        %dma_start3A_100 = arith.constant 0 : i32
        %dma_start3A_101 = arith.constant 0 : i32
        %dma_start3A_102 = tpu.memref_slice %arg13[%rem3A_99, %dma_start3A_100, %dma_start3A_101] : memref<4x128x8xf32, #tpu.memory_space<vmem>> -> memref<1x128x8xf32, #tpu.memory_space<vmem>>
        %dma_start3A_103 = tpu.memref_squeeze %dma_start3A_102 : memref<1x128x8xf32, #tpu.memory_space<vmem>> -> memref<128x8xf32, #tpu.memory_space<vmem>>
        %dma_start3A_104 = arith.constant 0 : i32
        %dma_start3A_105 = tpu.memref_slice %arg11[%rem3A_69, %rem3A_71, %dma_start3A_104] : memref<3x8x128xi32, #tpu.memory_space<vmem>> -> memref<1x1x128xi32, #tpu.memory_space<vmem>>
        %dma_start3A_106 = tpu.memref_squeeze %dma_start3A_105 : memref<1x1x128xi32, #tpu.memory_space<vmem>> -> memref<128xi32, #tpu.memory_space<vmem>>
        %dma_start3A_107 = arith.constant 0 : i32
        %dma_start3A_108 = arith.constant 0 : i32
        %dma_start3A_109 = tpu.memref_slice %arg3[%dma_start3A_107, %dma_start3A_108] : memref<100352x8xf32, #tpu.memory_space<hbm>> -> memref<100352x8xf32, #tpu.memory_space<hbm>>
        %dma_start3A_110 = tpu.memref_slice %arg18[%rem3A_99] : memref<4x!tpu.dma_semaphore, #tpu.memory_space<semaphore_mem>> -> memref<1x!tpu.dma_semaphore, #tpu.memory_space<semaphore_mem>>
        %dma_start3A_111 = tpu.memref_squeeze %dma_start3A_110 : memref<1x!tpu.dma_semaphore, #tpu.memory_space<semaphore_mem>> -> memref<!tpu.dma_semaphore, #tpu.memory_space<semaphore_mem>>
        tpu.enqueue_indirect_dma source(%dma_start3A_109 : memref<100352x8xf32, #tpu.memory_space<hbm>>) target(%dma_start3A_103 : memref<128x8xf32, #tpu.memory_space<vmem>>) offsets(%dma_start3A_106 : memref<128xi32, #tpu.memory_space<vmem>>) semaphore(%dma_start3A_111 : memref<!tpu.dma_semaphore, #tpu.memory_space<semaphore_mem>>)
        %dma_start3A_112 = arith.constant 0 : i32
        %dma_start3A_113 = tpu.memref_slice %arg14[%rem3A_99, %dma_start3A_112] : memref<4x128xf32, #tpu.memory_space<vmem>> -> memref<1x128xf32, #tpu.memory_space<vmem>>
        %dma_start3A_114 = tpu.memref_squeeze %dma_start3A_113 : memref<1x128xf32, #tpu.memory_space<vmem>> -> memref<128xf32, #tpu.memory_space<vmem>>
        %dma_start3A_115 = arith.constant 0 : i32
        %dma_start3A_116 = tpu.memref_slice %arg12[%rem3A_69, %rem3A_71, %dma_start3A_115] : memref<3x8x128xi32, #tpu.memory_space<vmem>> -> memref<1x1x128xi32, #tpu.memory_space<vmem>>
        %dma_start3A_117 = tpu.memref_squeeze %dma_start3A_116 : memref<1x1x128xi32, #tpu.memory_space<vmem>> -> memref<128xi32, #tpu.memory_space<vmem>>
        %dma_start3A_118 = arith.constant 0 : i32
        %dma_start3A_119 = tpu.memref_slice %arg4[%dma_start3A_118] : memref<100352xf32, #tpu.memory_space<hbm>> -> memref<100352xf32, #tpu.memory_space<hbm>>
        %dma_start3A_120 = tpu.memref_slice %arg18[%rem3A_99] : memref<4x!tpu.dma_semaphore, #tpu.memory_space<semaphore_mem>> -> memref<1x!tpu.dma_semaphore, #tpu.memory_space<semaphore_mem>>
        %dma_start3A_121 = tpu.memref_squeeze %dma_start3A_120 : memref<1x!tpu.dma_semaphore, #tpu.memory_space<semaphore_mem>> -> memref<!tpu.dma_semaphore, #tpu.memory_space<semaphore_mem>>
        tpu.enqueue_indirect_dma source(%dma_start3A_119 : memref<100352xf32, #tpu.memory_space<hbm>>) target(%dma_start3A_114 : memref<128xf32, #tpu.memory_space<vmem>>) offsets(%dma_start3A_117 : memref<128xi32, #tpu.memory_space<vmem>>) semaphore(%dma_start3A_121 : memref<!tpu.dma_semaphore, #tpu.memory_space<semaphore_mem>>)
      } else {
      }
    }
    %scan3A_58 = arith.constant 786 : i32
    %barrier3A_59 = arith.constant 0 : index
    tpu.barrier barrier_id(%barrier3A_59)
    %eq3A = arith.constant 0 : i32
    %eq3A_60 = arith.cmpi eq, %arg0, %eq3A : i32
    %convert_element_type3A = arith.extui %eq3A_60 : i1 to i32
    %cond3A = arith.constant 0 : i32
    %cond3A_61 = arith.cmpi ne, %convert_element_type3A, %cond3A : i32
    scf.if %cond3A_61 {
      %mul3A_67 = arith.constant 6272 : i32
      %mul3A_68 = arith.muli %arg1, %mul3A_67 : i32
      %mul3A_69 = arith.constant 6272 : i32
      %mul3A_70 = arith.muli %arg1, %mul3A_69 : i32
      "tpu.region"() ({
        %run_scoped3A = tpu.sem_alloc : memref<!tpu.dma_semaphore, #tpu.memory_space<semaphore_mem>>
        %dma_start3A_75 = arith.constant 0 : i32
        %dma_start3A_76 = tpu.memref_slice %arg7[%mul3A_70, %dma_start3A_75] : memref<100352x8xf32, #tpu.memory_space<hbm>> -> memref<6272x8xf32, #tpu.memory_space<hbm>>
        %dma_start3A_77 = arith.constant 0 : i32
        %dma_start3A_78 = tpu.memref_slice %arg15[%mul3A_68, %dma_start3A_77] : memref<100352x8xf32, #tpu.memory_space<vmem_shared>> -> memref<6272x8xf32, #tpu.memory_space<vmem_shared>>
        tpu.enqueue_dma source(%dma_start3A_78 : memref<6272x8xf32, #tpu.memory_space<vmem_shared>>) target(%dma_start3A_76 : memref<6272x8xf32, #tpu.memory_space<hbm>>) target_semaphore(%run_scoped3A : memref<!tpu.dma_semaphore, #tpu.memory_space<semaphore_mem>>)
        %dma_wait3A = arith.constant 0 : i32
        %dma_wait3A_79 = tpu.memref_slice %arg7[%mul3A_70, %dma_wait3A] : memref<100352x8xf32, #tpu.memory_space<hbm>> -> memref<6272x8xf32, #tpu.memory_space<hbm>>
        %dma_wait3A_80 = arith.constant 0 : i32
        %dma_wait3A_81 = tpu.memref_slice %arg15[%mul3A_68, %dma_wait3A_80] : memref<100352x8xf32, #tpu.memory_space<vmem_shared>> -> memref<6272x8xf32, #tpu.memory_space<vmem_shared>>
        tpu.wait_dma2 semaphore(%run_scoped3A : memref<!tpu.dma_semaphore, #tpu.memory_space<semaphore_mem>>) src(%dma_wait3A_81 : memref<6272x8xf32, #tpu.memory_space<vmem_shared>>) dst(%dma_wait3A_79 : memref<6272x8xf32, #tpu.memory_space<hbm>>)
        tpu.yield
      }) : () -> ()
      %mul3A_71 = arith.constant 6272 : i32
      %mul3A_72 = arith.muli %arg1, %mul3A_71 : i32
      %mul3A_73 = arith.constant 6272 : i32
      %mul3A_74 = arith.muli %arg1, %mul3A_73 : i32
      "tpu.region"() ({
        %run_scoped3A = tpu.sem_alloc : memref<!tpu.dma_semaphore, #tpu.memory_space<semaphore_mem>>
        %dma_start3A_75 = tpu.memref_slice %arg9[%mul3A_74] : memref<100352xf32, #tpu.memory_space<hbm>> -> memref<6272xf32, #tpu.memory_space<hbm>>
        %dma_start3A_76 = tpu.memref_slice %arg16[%mul3A_72] : memref<100352xf32, #tpu.memory_space<vmem_shared>> -> memref<6272xf32, #tpu.memory_space<vmem_shared>>
        tpu.enqueue_dma source(%dma_start3A_76 : memref<6272xf32, #tpu.memory_space<vmem_shared>>) target(%dma_start3A_75 : memref<6272xf32, #tpu.memory_space<hbm>>) target_semaphore(%run_scoped3A : memref<!tpu.dma_semaphore, #tpu.memory_space<semaphore_mem>>)
        %dma_wait3A = tpu.memref_slice %arg9[%mul3A_74] : memref<100352xf32, #tpu.memory_space<hbm>> -> memref<6272xf32, #tpu.memory_space<hbm>>
        %dma_wait3A_77 = tpu.memref_slice %arg16[%mul3A_72] : memref<100352xf32, #tpu.memory_space<vmem_shared>> -> memref<6272xf32, #tpu.memory_space<vmem_shared>>
        tpu.wait_dma2 semaphore(%run_scoped3A : memref<!tpu.dma_semaphore, #tpu.memory_space<semaphore_mem>>) src(%dma_wait3A_77 : memref<6272xf32, #tpu.memory_space<vmem_shared>>) dst(%dma_wait3A : memref<6272xf32, #tpu.memory_space<hbm>>)
        tpu.yield
      }) : () -> ()
    } else {
    }
    %eq3A_62 = arith.constant 1 : i32
    %eq3A_63 = arith.cmpi eq, %arg0, %eq3A_62 : i32
    %convert_element_type3A_64 = arith.extui %eq3A_63 : i1 to i32
    %cond3A_65 = arith.constant 0 : i32
    %cond3A_66 = arith.cmpi ne, %convert_element_type3A_64, %cond3A_65 : i32
    scf.if %cond3A_66 {
      %mul3A_67 = arith.constant 6272 : i32
      %mul3A_68 = arith.muli %arg1, %mul3A_67 : i32
      %mul3A_69 = arith.constant 6272 : i32
      %mul3A_70 = arith.muli %arg1, %mul3A_69 : i32
      "tpu.region"() ({
        %run_scoped3A = tpu.sem_alloc : memref<!tpu.dma_semaphore, #tpu.memory_space<semaphore_mem>>
        %dma_start3A_75 = arith.constant 0 : i32
        %dma_start3A_76 = tpu.memref_slice %arg8[%mul3A_70, %dma_start3A_75] : memref<100352x8xf32, #tpu.memory_space<hbm>> -> memref<6272x8xf32, #tpu.memory_space<hbm>>
        %dma_start3A_77 = arith.constant 0 : i32
        %dma_start3A_78 = tpu.memref_slice %arg15[%mul3A_68, %dma_start3A_77] : memref<100352x8xf32, #tpu.memory_space<vmem_shared>> -> memref<6272x8xf32, #tpu.memory_space<vmem_shared>>
        tpu.enqueue_dma source(%dma_start3A_78 : memref<6272x8xf32, #tpu.memory_space<vmem_shared>>) target(%dma_start3A_76 : memref<6272x8xf32, #tpu.memory_space<hbm>>) target_semaphore(%run_scoped3A : memref<!tpu.dma_semaphore, #tpu.memory_space<semaphore_mem>>)
        %dma_wait3A = arith.constant 0 : i32
        %dma_wait3A_79 = tpu.memref_slice %arg8[%mul3A_70, %dma_wait3A] : memref<100352x8xf32, #tpu.memory_space<hbm>> -> memref<6272x8xf32, #tpu.memory_space<hbm>>
        %dma_wait3A_80 = arith.constant 0 : i32
        %dma_wait3A_81 = tpu.memref_slice %arg15[%mul3A_68, %dma_wait3A_80] : memref<100352x8xf32, #tpu.memory_space<vmem_shared>> -> memref<6272x8xf32, #tpu.memory_space<vmem_shared>>
        tpu.wait_dma2 semaphore(%run_scoped3A : memref<!tpu.dma_semaphore, #tpu.memory_space<semaphore_mem>>) src(%dma_wait3A_81 : memref<6272x8xf32, #tpu.memory_space<vmem_shared>>) dst(%dma_wait3A_79 : memref<6272x8xf32, #tpu.memory_space<hbm>>)
        tpu.yield
      }) : () -> ()
      %mul3A_71 = arith.constant 6272 : i32
      %mul3A_72 = arith.muli %arg1, %mul3A_71 : i32
      %mul3A_73 = arith.constant 6272 : i32
      %mul3A_74 = arith.muli %arg1, %mul3A_73 : i32
      "tpu.region"() ({
        %run_scoped3A = tpu.sem_alloc : memref<!tpu.dma_semaphore, #tpu.memory_space<semaphore_mem>>
        %dma_start3A_75 = tpu.memref_slice %arg10[%mul3A_74] : memref<100352xf32, #tpu.memory_space<hbm>> -> memref<6272xf32, #tpu.memory_space<hbm>>
        %dma_start3A_76 = tpu.memref_slice %arg16[%mul3A_72] : memref<100352xf32, #tpu.memory_space<vmem_shared>> -> memref<6272xf32, #tpu.memory_space<vmem_shared>>
        tpu.enqueue_dma source(%dma_start3A_76 : memref<6272xf32, #tpu.memory_space<vmem_shared>>) target(%dma_start3A_75 : memref<6272xf32, #tpu.memory_space<hbm>>) target_semaphore(%run_scoped3A : memref<!tpu.dma_semaphore, #tpu.memory_space<semaphore_mem>>)
        %dma_wait3A = tpu.memref_slice %arg10[%mul3A_74] : memref<100352xf32, #tpu.memory_space<hbm>> -> memref<6272xf32, #tpu.memory_space<hbm>>
        %dma_wait3A_77 = tpu.memref_slice %arg16[%mul3A_72] : memref<100352xf32, #tpu.memory_space<vmem_shared>> -> memref<6272xf32, #tpu.memory_space<vmem_shared>>
        tpu.wait_dma2 semaphore(%run_scoped3A : memref<!tpu.dma_semaphore, #tpu.memory_space<semaphore_mem>>) src(%dma_wait3A_77 : memref<6272xf32, #tpu.memory_space<vmem_shared>>) dst(%dma_wait3A : memref<6272xf32, #tpu.memory_space<hbm>>)
        tpu.yield
      }) : () -> ()
    } else {
    }
    return
  }
}

#map = affine_map<(d0, d1) -> (0, 0, 0)>
#map1 = affine_map<(d0, d1) -> (0)>
module attributes {stable_mosaic.version = 14 : i64} {
  func.func @_deg_body(%arg0: i32, %arg1: i32, %arg2: memref<2x25000x128xi32, #tpu.memory_space<hbm>>, %arg3: memref<128xf32, #tpu.memory_space<hbm>>, %arg4: memref<6272xf32, #tpu.memory_space<hbm>>, %arg5: memref<100352xf32, #tpu.memory_space<hbm>>, %arg6: memref<100352xf32, #tpu.memory_space<hbm>>, %arg7: memref<3x8x128xi32, #tpu.memory_space<vmem>>, %arg8: memref<128xf32, #tpu.memory_space<vmem>>, %arg9: memref<100352xf32, #tpu.memory_space<vmem_shared>>, %arg10: memref<3x!tpu.dma_semaphore, #tpu.memory_space<semaphore_mem>>, %arg11: memref<4x!tpu.dma_semaphore, #tpu.memory_space<semaphore_mem>>) attributes {dimension_semantics = [#tpu.dimension_semantics<core_parallel>, #tpu.dimension_semantics<subcore_parallel>], iteration_bounds = array<i64: 2, 16>, scalar_prefetch = 0 : i64, scratch_operands = 5 : i64, tpu.core_type = #tpu.core_type<sc_vector_subcore>, window_params = [{transform_indices = #map}, {transform_indices = #map1}, {transform_indices = #map1}, {transform_indices = #map1}, {transform_indices = #map1}]} {
    %mul3A = arith.constant 16 : i32
    %mul3A_0 = arith.muli %arg0, %mul3A : i32
    %add3A = arith.addi %mul3A_0, %arg1 : i32
    %mul3A_1 = arith.constant 97 : i32
    %mul3A_2 = arith.muli %add3A, %mul3A_1 : i32
    %min3A = arith.constant 21 : i32
    %min3A_3 = arith.minsi %add3A, %min3A : i32
    %add3A_4 = arith.addi %mul3A_2, %min3A_3 : i32
    %mul3A_5 = arith.constant 8 : i32
    %mul3A_6 = arith.muli %add3A_4, %mul3A_5 : i32
    %lt3A = arith.constant 21 : i32
    %lt3A_7 = arith.cmpi slt, %add3A, %lt3A : i32
    %jit3A = arith.constant 1 : i32
    %jit3A_8 = arith.constant 0 : i32
    %select_n3A = arith.select %lt3A_7, %jit3A, %jit3A_8 : i32
    %add3A_9 = arith.constant 97 : i32
    %add3A_10 = arith.addi %add3A_9, %select_n3A : i32
    %mul3A_11 = arith.constant 8 : i32
    %mul3A_12 = arith.muli %add3A_10, %mul3A_11 : i32
    "tpu.region"() ({
      %run_scoped3A = tpu.sem_alloc : memref<!tpu.dma_semaphore, #tpu.memory_space<semaphore_mem>>
      tpu.enqueue_dma source(%arg3 : memref<128xf32, #tpu.memory_space<hbm>>) target(%arg8 : memref<128xf32, #tpu.memory_space<vmem>>) target_semaphore(%run_scoped3A : memref<!tpu.dma_semaphore, #tpu.memory_space<semaphore_mem>>)
      tpu.wait_dma2 semaphore(%run_scoped3A : memref<!tpu.dma_semaphore, #tpu.memory_space<semaphore_mem>>) src(%arg3 : memref<128xf32, #tpu.memory_space<hbm>>) dst(%arg8 : memref<128xf32, #tpu.memory_space<vmem>>)
      tpu.yield
    }) : () -> ()
    %mul3A_13 = arith.constant 6272 : i32
    %mul3A_14 = arith.muli %arg1, %mul3A_13 : i32
    "tpu.region"() ({
      %run_scoped3A = tpu.sem_alloc : memref<!tpu.dma_semaphore, #tpu.memory_space<semaphore_mem>>
      %dma_start3A_46 = tpu.memref_slice %arg9[%mul3A_14] : memref<100352xf32, #tpu.memory_space<vmem_shared>> -> memref<6272xf32, #tpu.memory_space<vmem_shared>>
      tpu.enqueue_dma source(%arg4 : memref<6272xf32, #tpu.memory_space<hbm>>) target(%dma_start3A_46 : memref<6272xf32, #tpu.memory_space<vmem_shared>>) target_semaphore(%run_scoped3A : memref<!tpu.dma_semaphore, #tpu.memory_space<semaphore_mem>>)
      %dma_wait3A = tpu.memref_slice %arg9[%mul3A_14] : memref<100352xf32, #tpu.memory_space<vmem_shared>> -> memref<6272xf32, #tpu.memory_space<vmem_shared>>
      tpu.wait_dma2 semaphore(%run_scoped3A : memref<!tpu.dma_semaphore, #tpu.memory_space<semaphore_mem>>) src(%arg4 : memref<6272xf32, #tpu.memory_space<hbm>>) dst(%dma_wait3A : memref<6272xf32, #tpu.memory_space<vmem_shared>>)
      tpu.yield
    }) : () -> ()
    %barrier3A = arith.constant 0 : index
    tpu.barrier barrier_id(%barrier3A)
    %dma_start3A = arith.constant 1 : i32
    %dma_start3A_15 = arith.constant 0 : i32
    %dma_start3A_16 = arith.constant 0 : i32
    %dma_start3A_17 = arith.constant 0 : i32
    %dma_start3A_18 = arith.constant 0 : i32
    %dma_start3A_19 = tpu.memref_slice %arg7[%dma_start3A_15, %dma_start3A_17, %dma_start3A_18] : memref<3x8x128xi32, #tpu.memory_space<vmem>> -> memref<1x8x128xi32, #tpu.memory_space<vmem>>
    %dma_start3A_20 = tpu.memref_squeeze %dma_start3A_19 : memref<1x8x128xi32, #tpu.memory_space<vmem>> -> memref<8x128xi32, #tpu.memory_space<vmem>>
    %dma_start3A_21 = arith.constant 0 : i32
    %dma_start3A_22 = tpu.memref_slice %arg2[%dma_start3A, %mul3A_6, %dma_start3A_21] : memref<2x25000x128xi32, #tpu.memory_space<hbm>> -> memref<1x8x128xi32, #tpu.memory_space<hbm>>
    %dma_start3A_23 = tpu.memref_squeeze %dma_start3A_22 : memref<1x8x128xi32, #tpu.memory_space<hbm>> -> memref<8x128xi32, #tpu.memory_space<hbm>>
    %dma_start3A_24 = tpu.memref_slice %arg10[%dma_start3A_16] : memref<3x!tpu.dma_semaphore, #tpu.memory_space<semaphore_mem>> -> memref<1x!tpu.dma_semaphore, #tpu.memory_space<semaphore_mem>>
    %dma_start3A_25 = tpu.memref_squeeze %dma_start3A_24 : memref<1x!tpu.dma_semaphore, #tpu.memory_space<semaphore_mem>> -> memref<!tpu.dma_semaphore, #tpu.memory_space<semaphore_mem>>
    %dma_start3A_26 = arith.constant 0 : i32
    %dma_start3A_27 = arith.constant 0 : i32
    %dma_start3A_28 = tpu.memref_slice %arg7[%dma_start3A_15, %dma_start3A_26, %dma_start3A_27] : memref<3x8x128xi32, #tpu.memory_space<vmem>> -> memref<1x8x128xi32, #tpu.memory_space<vmem>>
    %dma_start3A_29 = tpu.memref_squeeze %dma_start3A_28 : memref<1x8x128xi32, #tpu.memory_space<vmem>> -> memref<8x128xi32, #tpu.memory_space<vmem>>
    %dma_start3A_30 = arith.constant 0 : i32
    %dma_start3A_31 = tpu.memref_slice %arg2[%dma_start3A, %mul3A_6, %dma_start3A_30] : memref<2x25000x128xi32, #tpu.memory_space<hbm>> -> memref<1x8x128xi32, #tpu.memory_space<hbm>>
    %dma_start3A_32 = tpu.memref_squeeze %dma_start3A_31 : memref<1x8x128xi32, #tpu.memory_space<hbm>> -> memref<8x128xi32, #tpu.memory_space<hbm>>
    tpu.enqueue_dma source(%dma_start3A_32 : memref<8x128xi32, #tpu.memory_space<hbm>>) target(%dma_start3A_29 : memref<8x128xi32, #tpu.memory_space<vmem>>) target_semaphore(%dma_start3A_25 : memref<!tpu.dma_semaphore, #tpu.memory_space<semaphore_mem>>)
    %scan3A = arith.constant 0 : i32
    %scan3A_33 = arith.constant 0 : i32
    %scan3A_34 = arith.constant 785 : i32
    %scan3A_35 = arith.addi %scan3A_33, %scan3A_34 : i32
    %scan3A_36 = arith.constant 1 : i32
    scf.for %scan3A_46 = %scan3A_33 to %scan3A_35 step %scan3A_36  : i32 {
      %div3A = arith.constant 8 : i32
      %div3A_47 = arith.divsi %scan3A_46, %div3A : i32
      %rem3A = arith.constant 3 : i32
      %rem3A_48 = arith.remsi %div3A_47, %rem3A : i32
      %rem3A_49 = arith.constant 8 : i32
      %rem3A_50 = arith.remsi %scan3A_46, %rem3A_49 : i32
      %eq3A_51 = arith.constant 0 : i32
      %eq3A_52 = arith.cmpi eq, %rem3A_50, %eq3A_51 : i32
      %add3A_53 = arith.constant 8 : i32
      %add3A_54 = arith.addi %scan3A_46, %add3A_53 : i32
      %lt3A_55 = arith.cmpi slt, %add3A_54, %mul3A_12 : i32
      %and3A = arith.andi %eq3A_52, %lt3A_55 : i1
      %convert_element_type3A_56 = arith.extui %and3A : i1 to i32
      %cond3A_57 = arith.constant 0 : i32
      %cond3A_58 = arith.cmpi ne, %convert_element_type3A_56, %cond3A_57 : i32
      scf.if %cond3A_58 {
        %div3A_70 = arith.constant 8 : i32
        %div3A_71 = arith.divsi %scan3A_46, %div3A_70 : i32
        %add3A_72 = arith.constant 1 : i32
        %add3A_73 = arith.addi %div3A_71, %add3A_72 : i32
        %rem3A_74 = arith.constant 3 : i32
        %rem3A_75 = arith.remsi %add3A_73, %rem3A_74 : i32
        %add3A_76 = arith.addi %mul3A_6, %scan3A_46 : i32
        %add3A_77 = arith.constant 8 : i32
        %add3A_78 = arith.addi %add3A_76, %add3A_77 : i32
        %dma_start3A_79 = arith.constant 1 : i32
        %dma_start3A_80 = arith.constant 0 : i32
        %dma_start3A_81 = arith.constant 0 : i32
        %dma_start3A_82 = tpu.memref_slice %arg7[%rem3A_75, %dma_start3A_80, %dma_start3A_81] : memref<3x8x128xi32, #tpu.memory_space<vmem>> -> memref<1x8x128xi32, #tpu.memory_space<vmem>>
        %dma_start3A_83 = tpu.memref_squeeze %dma_start3A_82 : memref<1x8x128xi32, #tpu.memory_space<vmem>> -> memref<8x128xi32, #tpu.memory_space<vmem>>
        %dma_start3A_84 = arith.constant 0 : i32
        %dma_start3A_85 = tpu.memref_slice %arg2[%dma_start3A_79, %add3A_78, %dma_start3A_84] : memref<2x25000x128xi32, #tpu.memory_space<hbm>> -> memref<1x8x128xi32, #tpu.memory_space<hbm>>
        %dma_start3A_86 = tpu.memref_squeeze %dma_start3A_85 : memref<1x8x128xi32, #tpu.memory_space<hbm>> -> memref<8x128xi32, #tpu.memory_space<hbm>>
        %dma_start3A_87 = tpu.memref_slice %arg10[%rem3A_75] : memref<3x!tpu.dma_semaphore, #tpu.memory_space<semaphore_mem>> -> memref<1x!tpu.dma_semaphore, #tpu.memory_space<semaphore_mem>>
        %dma_start3A_88 = tpu.memref_squeeze %dma_start3A_87 : memref<1x!tpu.dma_semaphore, #tpu.memory_space<semaphore_mem>> -> memref<!tpu.dma_semaphore, #tpu.memory_space<semaphore_mem>>
        %dma_start3A_89 = arith.constant 0 : i32
        %dma_start3A_90 = arith.constant 0 : i32
        %dma_start3A_91 = tpu.memref_slice %arg7[%rem3A_75, %dma_start3A_89, %dma_start3A_90] : memref<3x8x128xi32, #tpu.memory_space<vmem>> -> memref<1x8x128xi32, #tpu.memory_space<vmem>>
        %dma_start3A_92 = tpu.memref_squeeze %dma_start3A_91 : memref<1x8x128xi32, #tpu.memory_space<vmem>> -> memref<8x128xi32, #tpu.memory_space<vmem>>
        %dma_start3A_93 = arith.constant 0 : i32
        %dma_start3A_94 = tpu.memref_slice %arg2[%dma_start3A_79, %add3A_78, %dma_start3A_93] : memref<2x25000x128xi32, #tpu.memory_space<hbm>> -> memref<1x8x128xi32, #tpu.memory_space<hbm>>
        %dma_start3A_95 = tpu.memref_squeeze %dma_start3A_94 : memref<1x8x128xi32, #tpu.memory_space<hbm>> -> memref<8x128xi32, #tpu.memory_space<hbm>>
        tpu.enqueue_dma source(%dma_start3A_95 : memref<8x128xi32, #tpu.memory_space<hbm>>) target(%dma_start3A_92 : memref<8x128xi32, #tpu.memory_space<vmem>>) target_semaphore(%dma_start3A_88 : memref<!tpu.dma_semaphore, #tpu.memory_space<semaphore_mem>>)
      } else {
      }
      %eq3A_59 = arith.constant 0 : i32
      %eq3A_60 = arith.cmpi eq, %rem3A_50, %eq3A_59 : i32
      %lt3A_61 = arith.cmpi slt, %scan3A_46, %mul3A_12 : i32
      %and3A_62 = arith.andi %eq3A_60, %lt3A_61 : i1
      %convert_element_type3A_63 = arith.extui %and3A_62 : i1 to i32
      %cond3A_64 = arith.constant 0 : i32
      %cond3A_65 = arith.cmpi ne, %convert_element_type3A_63, %cond3A_64 : i32
      scf.if %cond3A_65 {
        %add3A_70 = arith.addi %mul3A_6, %scan3A_46 : i32
        %dma_wait3A = arith.constant 1 : i32
        %dma_wait3A_71 = arith.constant 0 : i32
        %dma_wait3A_72 = arith.constant 0 : i32
        %dma_wait3A_73 = tpu.memref_slice %arg7[%rem3A_48, %dma_wait3A_71, %dma_wait3A_72] : memref<3x8x128xi32, #tpu.memory_space<vmem>> -> memref<1x8x128xi32, #tpu.memory_space<vmem>>
        %dma_wait3A_74 = tpu.memref_squeeze %dma_wait3A_73 : memref<1x8x128xi32, #tpu.memory_space<vmem>> -> memref<8x128xi32, #tpu.memory_space<vmem>>
        %dma_wait3A_75 = arith.constant 0 : i32
        %dma_wait3A_76 = tpu.memref_slice %arg2[%dma_wait3A, %add3A_70, %dma_wait3A_75] : memref<2x25000x128xi32, #tpu.memory_space<hbm>> -> memref<1x8x128xi32, #tpu.memory_space<hbm>>
        %dma_wait3A_77 = tpu.memref_squeeze %dma_wait3A_76 : memref<1x8x128xi32, #tpu.memory_space<hbm>> -> memref<8x128xi32, #tpu.memory_space<hbm>>
        %dma_wait3A_78 = tpu.memref_slice %arg10[%rem3A_48] : memref<3x!tpu.dma_semaphore, #tpu.memory_space<semaphore_mem>> -> memref<1x!tpu.dma_semaphore, #tpu.memory_space<semaphore_mem>>
        %dma_wait3A_79 = tpu.memref_squeeze %dma_wait3A_78 : memref<1x!tpu.dma_semaphore, #tpu.memory_space<semaphore_mem>> -> memref<!tpu.dma_semaphore, #tpu.memory_space<semaphore_mem>>
        %dma_wait3A_80 = arith.constant 0 : i32
        %dma_wait3A_81 = arith.constant 0 : i32
        %dma_wait3A_82 = tpu.memref_slice %arg7[%rem3A_48, %dma_wait3A_80, %dma_wait3A_81] : memref<3x8x128xi32, #tpu.memory_space<vmem>> -> memref<1x8x128xi32, #tpu.memory_space<vmem>>
        %dma_wait3A_83 = tpu.memref_squeeze %dma_wait3A_82 : memref<1x8x128xi32, #tpu.memory_space<vmem>> -> memref<8x128xi32, #tpu.memory_space<vmem>>
        %dma_wait3A_84 = arith.constant 0 : i32
        %dma_wait3A_85 = tpu.memref_slice %arg2[%dma_wait3A, %add3A_70, %dma_wait3A_84] : memref<2x25000x128xi32, #tpu.memory_space<hbm>> -> memref<1x8x128xi32, #tpu.memory_space<hbm>>
        %dma_wait3A_86 = tpu.memref_squeeze %dma_wait3A_85 : memref<1x8x128xi32, #tpu.memory_space<hbm>> -> memref<8x128xi32, #tpu.memory_space<hbm>>
        tpu.wait_dma2 semaphore(%dma_wait3A_79 : memref<!tpu.dma_semaphore, #tpu.memory_space<semaphore_mem>>) src(%dma_wait3A_86 : memref<8x128xi32, #tpu.memory_space<hbm>>) dst(%dma_wait3A_83 : memref<8x128xi32, #tpu.memory_space<vmem>>)
      } else {
      }
      %lt3A_66 = arith.cmpi slt, %scan3A_46, %mul3A_12 : i32
      %convert_element_type3A_67 = arith.extui %lt3A_66 : i1 to i32
      %cond3A_68 = arith.constant 0 : i32
      %cond3A_69 = arith.cmpi ne, %convert_element_type3A_67, %cond3A_68 : i32
      scf.if %cond3A_69 {
        "tpu.region"() ({
          %run_scoped3A = tpu.sem_alloc : memref<!tpu.dma_semaphore, #tpu.memory_space<semaphore_mem>>
          %dma_start3A_70 = arith.constant 0 : i32
          %dma_start3A_71 = tpu.memref_slice %arg7[%rem3A_48, %rem3A_50, %dma_start3A_70] : memref<3x8x128xi32, #tpu.memory_space<vmem>> -> memref<1x1x128xi32, #tpu.memory_space<vmem>>
          %dma_start3A_72 = tpu.memref_squeeze %dma_start3A_71 : memref<1x1x128xi32, #tpu.memory_space<vmem>> -> memref<128xi32, #tpu.memory_space<vmem>>
          %dma_start3A_73 = arith.constant 0 : i32
          %dma_start3A_74 = tpu.memref_slice %arg9[%dma_start3A_73] : memref<100352xf32, #tpu.memory_space<vmem_shared>> -> memref<100352xf32, #tpu.memory_space<vmem_shared>>
          tpu.enqueue_indirect_dma source(%arg8 : memref<128xf32, #tpu.memory_space<vmem>>) target(%dma_start3A_74 : memref<100352xf32, #tpu.memory_space<vmem_shared>>) offsets(%dma_start3A_72 : memref<128xi32, #tpu.memory_space<vmem>>) semaphore(%run_scoped3A : memref<!tpu.dma_semaphore, #tpu.memory_space<semaphore_mem>>) {add = true}
          %dma_wait3A = arith.constant 0 : i32
          %dma_wait3A_75 = tpu.memref_slice %arg7[%rem3A_48, %rem3A_50, %dma_wait3A] : memref<3x8x128xi32, #tpu.memory_space<vmem>> -> memref<1x1x128xi32, #tpu.memory_space<vmem>>
          %dma_wait3A_76 = tpu.memref_squeeze %dma_wait3A_75 : memref<1x1x128xi32, #tpu.memory_space<vmem>> -> memref<128xi32, #tpu.memory_space<vmem>>
          %dma_wait3A_77 = arith.constant 0 : i32
          %dma_wait3A_78 = tpu.memref_slice %arg9[%dma_wait3A_77] : memref<100352xf32, #tpu.memory_space<vmem_shared>> -> memref<100352xf32, #tpu.memory_space<vmem_shared>>
          tpu.wait_indirect_dma semaphore(%run_scoped3A : memref<!tpu.dma_semaphore, #tpu.memory_space<semaphore_mem>>) src(%arg8 : memref<128xf32, #tpu.memory_space<vmem>>) dst(%dma_wait3A_78 : memref<100352xf32, #tpu.memory_space<vmem_shared>>)
          tpu.yield
        }) : () -> ()
      } else {
      }
    }
    %scan3A_37 = arith.constant 785 : i32
    %barrier3A_38 = arith.constant 0 : index
    tpu.barrier barrier_id(%barrier3A_38)
    %eq3A = arith.constant 0 : i32
    %eq3A_39 = arith.cmpi eq, %arg0, %eq3A : i32
    %convert_element_type3A = arith.extui %eq3A_39 : i1 to i32
    %cond3A = arith.constant 0 : i32
    %cond3A_40 = arith.cmpi ne, %convert_element_type3A, %cond3A : i32
    scf.if %cond3A_40 {
      %mul3A_46 = arith.constant 6272 : i32
      %mul3A_47 = arith.muli %arg1, %mul3A_46 : i32
      %mul3A_48 = arith.constant 6272 : i32
      %mul3A_49 = arith.muli %arg1, %mul3A_48 : i32
      "tpu.region"() ({
        %run_scoped3A = tpu.sem_alloc : memref<!tpu.dma_semaphore, #tpu.memory_space<semaphore_mem>>
        %dma_start3A_50 = tpu.memref_slice %arg5[%mul3A_49] : memref<100352xf32, #tpu.memory_space<hbm>> -> memref<6272xf32, #tpu.memory_space<hbm>>
        %dma_start3A_51 = tpu.memref_slice %arg9[%mul3A_47] : memref<100352xf32, #tpu.memory_space<vmem_shared>> -> memref<6272xf32, #tpu.memory_space<vmem_shared>>
        tpu.enqueue_dma source(%dma_start3A_51 : memref<6272xf32, #tpu.memory_space<vmem_shared>>) target(%dma_start3A_50 : memref<6272xf32, #tpu.memory_space<hbm>>) target_semaphore(%run_scoped3A : memref<!tpu.dma_semaphore, #tpu.memory_space<semaphore_mem>>)
        %dma_wait3A = tpu.memref_slice %arg5[%mul3A_49] : memref<100352xf32, #tpu.memory_space<hbm>> -> memref<6272xf32, #tpu.memory_space<hbm>>
        %dma_wait3A_52 = tpu.memref_slice %arg9[%mul3A_47] : memref<100352xf32, #tpu.memory_space<vmem_shared>> -> memref<6272xf32, #tpu.memory_space<vmem_shared>>
        tpu.wait_dma2 semaphore(%run_scoped3A : memref<!tpu.dma_semaphore, #tpu.memory_space<semaphore_mem>>) src(%dma_wait3A_52 : memref<6272xf32, #tpu.memory_space<vmem_shared>>) dst(%dma_wait3A : memref<6272xf32, #tpu.memory_space<hbm>>)
        tpu.yield
      }) : () -> ()
    } else {
    }
    %eq3A_41 = arith.constant 1 : i32
    %eq3A_42 = arith.cmpi eq, %arg0, %eq3A_41 : i32
    %convert_element_type3A_43 = arith.extui %eq3A_42 : i1 to i32
    %cond3A_44 = arith.constant 0 : i32
    %cond3A_45 = arith.cmpi ne, %convert_element_type3A_43, %cond3A_44 : i32
    scf.if %cond3A_45 {
      %mul3A_46 = arith.constant 6272 : i32
      %mul3A_47 = arith.muli %arg1, %mul3A_46 : i32
      %mul3A_48 = arith.constant 6272 : i32
      %mul3A_49 = arith.muli %arg1, %mul3A_48 : i32
      "tpu.region"() ({
        %run_scoped3A = tpu.sem_alloc : memref<!tpu.dma_semaphore, #tpu.memory_space<semaphore_mem>>
        %dma_start3A_50 = tpu.memref_slice %arg6[%mul3A_49] : memref<100352xf32, #tpu.memory_space<hbm>> -> memref<6272xf32, #tpu.memory_space<hbm>>
        %dma_start3A_51 = tpu.memref_slice %arg9[%mul3A_47] : memref<100352xf32, #tpu.memory_space<vmem_shared>> -> memref<6272xf32, #tpu.memory_space<vmem_shared>>
        tpu.enqueue_dma source(%dma_start3A_51 : memref<6272xf32, #tpu.memory_space<vmem_shared>>) target(%dma_start3A_50 : memref<6272xf32, #tpu.memory_space<hbm>>) target_semaphore(%run_scoped3A : memref<!tpu.dma_semaphore, #tpu.memory_space<semaphore_mem>>)
        %dma_wait3A = tpu.memref_slice %arg6[%mul3A_49] : memref<100352xf32, #tpu.memory_space<hbm>> -> memref<6272xf32, #tpu.memory_space<hbm>>
        %dma_wait3A_52 = tpu.memref_slice %arg9[%mul3A_47] : memref<100352xf32, #tpu.memory_space<vmem_shared>> -> memref<6272xf32, #tpu.memory_space<vmem_shared>>
        tpu.wait_dma2 semaphore(%run_scoped3A : memref<!tpu.dma_semaphore, #tpu.memory_space<semaphore_mem>>) src(%dma_wait3A_52 : memref<6272xf32, #tpu.memory_space<vmem_shared>>) dst(%dma_wait3A : memref<6272xf32, #tpu.memory_space<hbm>>)
        tpu.yield
      }) : () -> ()
    } else {
    }
    return
  }
}

module attributes {stable_mosaic.version = 14 : i64} {
  func.func @_tc1_body(%arg0: i32, %arg1: memref<896x16xf32, #tpu.memory_space<vmem>>, %arg2: memref<896x16xf32, #tpu.memory_space<vmem>>, %arg3: memref<112x128xf32, #tpu.memory_space<vmem>>, %arg4: memref<112x128xf32, #tpu.memory_space<vmem>>, %arg5: memref<896x128xf32, #tpu.memory_space<vmem>>, %arg6: memref<16x128xf32, #tpu.memory_space<vmem>>, %arg7: memref<896x128xf32, #tpu.memory_space<vmem>>, %arg8: memref<896x16xf32, #tpu.memory_space<vmem>>, %arg9: memref<112x128xf32, #tpu.memory_space<vmem>>) attributes {dimension_semantics = [#tpu.dimension_semantics<arbitrary>], iteration_bounds = array<i64: 7>, scalar_prefetch = 0 : i64, scratch_operands = 0 : i64, tpu.core_type = #tpu.core_type<tc>, window_params = [{transform_indices = @transform_0, window_bounds = array<i64: 896, 16>}, {transform_indices = @transform_1, window_bounds = array<i64: 896, 16>}, {transform_indices = @transform_2, window_bounds = array<i64: 112, 128>}, {transform_indices = @transform_3, window_bounds = array<i64: 112, 128>}, {transform_indices = @transform_4, window_bounds = array<i64: 896, 128>}, {pipeline_mode = #tpu.pipeline_mode<synchronous>, transform_indices = @transform_5, window_bounds = array<i64: 16, 128>}, {transform_indices = @transform_6, window_bounds = array<i64: 896, 128>}, {transform_indices = @transform_7, window_bounds = array<i64: 896, 16>}, {transform_indices = @transform_8, window_bounds = array<i64: 112, 128>}]} {
    %get3A = arith.constant 0 : index
    %get3A_0 = arith.constant 0 : index
    %get3A_1 = vector.load %arg1[%get3A, %get3A_0] : memref<896x16xf32, #tpu.memory_space<vmem>>, vector<896x16xf32>
    %get3A_2 = arith.constant 0 : index
    %get3A_3 = arith.constant 0 : index
    %get3A_4 = vector.load %arg2[%get3A_2, %get3A_3] : memref<896x16xf32, #tpu.memory_space<vmem>>, vector<896x16xf32>
    %add3A = arith.addf %get3A_1, %get3A_4 : vector<896x16xf32>
    %add3A_5 = arith.constant 1.000000e+00 : f32
    %add3A_6 = vector.broadcast %add3A_5 : f32 to vector<896x16xf32>
    %add3A_7 = arith.addf %add3A, %add3A_6 : vector<896x16xf32>
    %rsqrt3A = math.rsqrt %add3A_7 : vector<896x16xf32>
    %swap3A = arith.constant 0 : index
    %swap3A_8 = arith.constant 0 : index
    %swap3A_9 = vector.load %arg8[%swap3A, %swap3A_8] : memref<896x16xf32, #tpu.memory_space<vmem>>, vector<896x16xf32>
    tpu.vector_store %arg8[%swap3A, %swap3A_8], %rsqrt3A {strides = array<i32>} : memref<896x16xf32, #tpu.memory_space<vmem>>, vector<896x16xf32>,
    %get3A_10 = arith.constant 0 : index
    %get3A_11 = arith.constant 0 : index
    %get3A_12 = vector.load %arg3[%get3A_10, %get3A_11] : memref<112x128xf32, #tpu.memory_space<vmem>>, vector<112x128xf32>
    %get3A_13 = arith.constant 0 : index
    %get3A_14 = arith.constant 0 : index
    %get3A_15 = vector.load %arg4[%get3A_13, %get3A_14] : memref<112x128xf32, #tpu.memory_space<vmem>>, vector<112x128xf32>
    %add3A_16 = arith.addf %get3A_12, %get3A_15 : vector<112x128xf32>
    %add3A_17 = arith.constant 1.000000e+00 : f32
    %add3A_18 = vector.broadcast %add3A_17 : f32 to vector<112x128xf32>
    %add3A_19 = arith.addf %add3A_16, %add3A_18 : vector<112x128xf32>
    %rsqrt3A_20 = math.rsqrt %add3A_19 : vector<112x128xf32>
    %swap3A_21 = arith.constant 0 : index
    %swap3A_22 = arith.constant 0 : index
    %swap3A_23 = vector.load %arg9[%swap3A_21, %swap3A_22] : memref<112x128xf32, #tpu.memory_space<vmem>>, vector<112x128xf32>
    tpu.vector_store %arg9[%swap3A_21, %swap3A_22], %rsqrt3A_20 {strides = array<i32>} : memref<112x128xf32, #tpu.memory_space<vmem>>, vector<112x128xf32>,
    %get3A_24 = arith.constant 0 : index
    %get3A_25 = arith.constant 0 : index
    %get3A_26 = vector.load %arg6[%get3A_24, %get3A_25] : memref<16x128xf32, #tpu.memory_space<vmem>>, vector<16x128xf32>
    %dot_general3A = arith.constant dense<0.000000e+00> : vector<896x128xf32>
    %dot_general3A_27 = tpu.matmul %rsqrt3A, %get3A_26, %dot_general3A {dimension_numbers = #tpu.dot_dimension_numbers<[1], [0], [0], [1], [0, 0, 1, 1], [], []>, transpose_lhs_hint = false} : vector<896x16xf32>, vector<16x128xf32>, vector<896x128xf32> -> vector<896x128xf32>
    %get3A_28 = arith.constant 0 : index
    %get3A_29 = arith.constant 0 : index
    %get3A_30 = vector.load %arg5[%get3A_28, %get3A_29] : memref<896x128xf32, #tpu.memory_space<vmem>>, vector<896x128xf32>
    %mul3A = arith.mulf %get3A_30, %dot_general3A_27 : vector<896x128xf32>
    %swap3A_31 = arith.constant 0 : index
    %swap3A_32 = arith.constant 0 : index
    %swap3A_33 = vector.load %arg7[%swap3A_31, %swap3A_32] : memref<896x128xf32, #tpu.memory_space<vmem>>, vector<896x128xf32>
    tpu.vector_store %arg7[%swap3A_31, %swap3A_32], %mul3A {strides = array<i32>} : memref<896x128xf32, #tpu.memory_space<vmem>>, vector<896x128xf32>,
    return
  }
  func.func @transform_0(%arg0: i32) -> (i32, i32) {
    %c0_i32 = arith.constant 0 : i32
    %c0_i32_0 = arith.constant 0 : i32
    return %arg0, %c0_i32 : i32, i32
  }
  func.func @transform_1(%arg0: i32) -> (i32, i32) {
    %c0_i32 = arith.constant 0 : i32
    %c0_i32_0 = arith.constant 0 : i32
    return %arg0, %c0_i32 : i32, i32
  }
  func.func @transform_2(%arg0: i32) -> (i32, i32) {
    %c0_i32 = arith.constant 0 : i32
    %c0_i32_0 = arith.constant 0 : i32
    return %arg0, %c0_i32 : i32, i32
  }
  func.func @transform_3(%arg0: i32) -> (i32, i32) {
    %c0_i32 = arith.constant 0 : i32
    %c0_i32_0 = arith.constant 0 : i32
    return %arg0, %c0_i32 : i32, i32
  }
  func.func @transform_4(%arg0: i32) -> (i32, i32) {
    %c0_i32 = arith.constant 0 : i32
    %c0_i32_0 = arith.constant 0 : i32
    return %arg0, %c0_i32 : i32, i32
  }
  func.func @transform_5(%arg0: i32) -> (i32, i32) {
    %c0_i32 = arith.constant 0 : i32
    %c0_i32_0 = arith.constant 0 : i32
    %c0_i32_1 = arith.constant 0 : i32
    return %c0_i32, %c0_i32_0 : i32, i32
  }
  func.func @transform_6(%arg0: i32) -> (i32, i32) {
    %c0_i32 = arith.constant 0 : i32
    %c0_i32_0 = arith.constant 0 : i32
    return %arg0, %c0_i32 : i32, i32
  }
  func.func @transform_7(%arg0: i32) -> (i32, i32) {
    %c0_i32 = arith.constant 0 : i32
    %c0_i32_0 = arith.constant 0 : i32
    return %arg0, %c0_i32 : i32, i32
  }
  func.func @transform_8(%arg0: i32) -> (i32, i32) {
    %c0_i32 = arith.constant 0 : i32
    %c0_i32_0 = arith.constant 0 : i32
    return %arg0, %c0_i32 : i32, i32
  }
}

module attributes {stable_mosaic.version = 14 : i64} {
  func.func @_tc2_body(%arg0: i32, %arg1: memref<896x128xf32, #tpu.memory_space<vmem>>, %arg2: memref<896x128xf32, #tpu.memory_space<vmem>>, %arg3: memref<896x128xf32, #tpu.memory_space<vmem>>, %arg4: memref<896x16xf32, #tpu.memory_space<vmem>>, %arg5: memref<896x16xf32, #tpu.memory_space<vmem>>, %arg6: memref<896x16xf32, #tpu.memory_space<vmem>>, %arg7: memref<128x256xf32, #tpu.memory_space<vmem>>, %arg8: memref<1x256xf32, #tpu.memory_space<vmem>>, %arg9: memref<16x256xf32, #tpu.memory_space<vmem>>, %arg10: memref<256x16xf32, #tpu.memory_space<vmem>>, %arg11: memref<16x64xf32, #tpu.memory_space<vmem>>, %arg12: memref<1x64xf32, #tpu.memory_space<vmem>>, %arg13: memref<64x10xf32, #tpu.memory_space<vmem>>, %arg14: memref<1x10xf32, #tpu.memory_space<vmem>>, %arg15: memref<1x10xf32, #tpu.memory_space<vmem>>, %arg16: memref<1x256xf32, #tpu.memory_space<vmem>>) attributes {dimension_semantics = [#tpu.dimension_semantics<arbitrary>], iteration_bounds = array<i64: 7>, scalar_prefetch = 0 : i64, scratch_operands = 1 : i64, tpu.core_type = #tpu.core_type<tc>, window_params = [{transform_indices = @transform_0, window_bounds = array<i64: 896, 128>}, {transform_indices = @transform_1, window_bounds = array<i64: 896, 128>}, {transform_indices = @transform_2, window_bounds = array<i64: 896, 128>}, {transform_indices = @transform_3, window_bounds = array<i64: 896, 16>}, {transform_indices = @transform_4, window_bounds = array<i64: 896, 16>}, {transform_indices = @transform_5, window_bounds = array<i64: 896, 16>}, {pipeline_mode = #tpu.pipeline_mode<synchronous>, transform_indices = @transform_6, window_bounds = array<i64: 128, 256>}, {pipeline_mode = #tpu.pipeline_mode<synchronous>, transform_indices = @transform_7, window_bounds = array<i64: 1, 256>}, {pipeline_mode = #tpu.pipeline_mode<synchronous>, transform_indices = @transform_8, window_bounds = array<i64: 16, 256>}, {pipeline_mode = #tpu.pipeline_mode<synchronous>, transform_indices = @transform_9, window_bounds = array<i64: 256, 16>}, {pipeline_mode = #tpu.pipeline_mode<synchronous>, transform_indices = @transform_10, window_bounds = array<i64: 16, 64>}, {pipeline_mode = #tpu.pipeline_mode<synchronous>, transform_indices = @transform_11, window_bounds = array<i64: 1, 64>}, {pipeline_mode = #tpu.pipeline_mode<synchronous>, transform_indices = @transform_12, window_bounds = array<i64: 64, 10>}, {pipeline_mode = #tpu.pipeline_mode<synchronous>, transform_indices = @transform_13, window_bounds = array<i64: 1, 10>}, {pipeline_mode = #tpu.pipeline_mode<synchronous>, transform_indices = @transform_14, window_bounds = array<i64: 1, 10>}]} {
    %eq3A = arith.constant 0 : i32
    %eq3A_0 = arith.cmpi eq, %arg0, %eq3A : i32
    %convert_element_type3A = arith.extui %eq3A_0 : i1 to i32
    %cond3A = arith.constant 0 : i32
    %cond3A_1 = arith.cmpi ne, %convert_element_type3A, %cond3A : i32
    scf.if %cond3A_1 {
      %broadcast_in_dim3A_69 = arith.constant 0.000000e+00 : f32
      %broadcast_in_dim3A_70 = vector.broadcast %broadcast_in_dim3A_69 : f32 to vector<1x256xf32>
      %swap3A_71 = arith.constant 0 : index
      %swap3A_72 = arith.constant 0 : index
      %swap3A_73 = vector.load %arg16[%swap3A_71, %swap3A_72] : memref<1x256xf32, #tpu.memory_space<vmem>>, vector<1x256xf32>
      tpu.vector_store %arg16[%swap3A_71, %swap3A_72], %broadcast_in_dim3A_70 {strides = array<i32>} : memref<1x256xf32, #tpu.memory_space<vmem>>, vector<1x256xf32>,
    } else {
    }
    %get3A = arith.constant 0 : index
    %get3A_2 = arith.constant 0 : index
    %get3A_3 = vector.load %arg1[%get3A, %get3A_2] : memref<896x128xf32, #tpu.memory_space<vmem>>, vector<896x128xf32>
    %get3A_4 = arith.constant 0 : index
    %get3A_5 = arith.constant 0 : index
    %get3A_6 = vector.load %arg2[%get3A_4, %get3A_5] : memref<896x128xf32, #tpu.memory_space<vmem>>, vector<896x128xf32>
    %add3A = arith.addf %get3A_3, %get3A_6 : vector<896x128xf32>
    %get3A_7 = arith.constant 0 : index
    %get3A_8 = arith.constant 0 : index
    %get3A_9 = vector.load %arg3[%get3A_7, %get3A_8] : memref<896x128xf32, #tpu.memory_space<vmem>>, vector<896x128xf32>
    %add3A_10 = arith.addf %add3A, %get3A_9 : vector<896x128xf32>
    %get3A_11 = arith.constant 0 : index
    %get3A_12 = arith.constant 0 : index
    %get3A_13 = vector.load %arg7[%get3A_11, %get3A_12] : memref<128x256xf32, #tpu.memory_space<vmem>>, vector<128x256xf32>
    %dot_general3A = arith.constant dense<0.000000e+00> : vector<896x256xf32>
    %dot_general3A_14 = tpu.matmul %add3A_10, %get3A_13, %dot_general3A {dimension_numbers = #tpu.dot_dimension_numbers<[1], [0], [0], [1], [0, 0, 1, 1], [], []>, transpose_lhs_hint = false} : vector<896x128xf32>, vector<128x256xf32>, vector<896x256xf32> -> vector<896x256xf32>
    %get3A_15 = arith.constant 0 : index
    %get3A_16 = arith.constant 0 : index
    %get3A_17 = vector.load %arg6[%get3A_15, %get3A_16] : memref<896x16xf32, #tpu.memory_space<vmem>>, vector<896x16xf32>
    %get3A_18 = arith.constant 0 : index
    %get3A_19 = arith.constant 0 : index
    %get3A_20 = vector.load %arg9[%get3A_18, %get3A_19] : memref<16x256xf32, #tpu.memory_space<vmem>>, vector<16x256xf32>
    %dot_general3A_21 = arith.constant dense<0.000000e+00> : vector<896x256xf32>
    %dot_general3A_22 = tpu.matmul %get3A_17, %get3A_20, %dot_general3A_21 {dimension_numbers = #tpu.dot_dimension_numbers<[1], [0], [0], [1], [0, 0, 1, 1], [], []>, transpose_lhs_hint = false} : vector<896x16xf32>, vector<16x256xf32>, vector<896x256xf32> -> vector<896x256xf32>
    %mul3A = arith.mulf %dot_general3A_22, %dot_general3A_14 : vector<896x256xf32>
    %get3A_23 = arith.constant 0 : index
    %get3A_24 = arith.constant 0 : index
    %get3A_25 = vector.load %arg8[%get3A_23, %get3A_24] : memref<1x256xf32, #tpu.memory_space<vmem>>, vector<1x256xf32>
    %add3A_26 = vector.broadcast %get3A_25 : vector<1x256xf32> to vector<896x256xf32>
    %add3A_27 = arith.addf %mul3A, %add3A_26 : vector<896x256xf32>
    %max3A = arith.constant 0.000000e+00 : f32
    %max3A_28 = vector.broadcast %max3A : f32 to vector<896x256xf32>
    %max3A_29 = arith.maximumf %add3A_27, %max3A_28 : vector<896x256xf32>
    %get3A_30 = arith.constant 0 : index
    %get3A_31 = arith.constant 0 : index
    %get3A_32 = vector.load %arg4[%get3A_30, %get3A_31] : memref<896x16xf32, #tpu.memory_space<vmem>>, vector<896x16xf32>
    %add3A_33 = arith.addf %get3A_17, %get3A_32 : vector<896x16xf32>
    %get3A_34 = arith.constant 0 : index
    %get3A_35 = arith.constant 0 : index
    %get3A_36 = vector.load %arg5[%get3A_34, %get3A_35] : memref<896x16xf32, #tpu.memory_space<vmem>>, vector<896x16xf32>
    %add3A_37 = arith.addf %add3A_33, %get3A_36 : vector<896x16xf32>
    %mul3A_38 = arith.mulf %get3A_17, %add3A_37 : vector<896x16xf32>
    %iota3A = tpu.iota {dimensions = array<i32: 0>} : vector<896x16xi32>
    %mul3A_39 = arith.constant 896 : i32
    %mul3A_40 = arith.muli %arg0, %mul3A_39 : i32
    %add3A_41 = vector.broadcast %mul3A_40 : i32 to vector<896x16xi32>
    %add3A_42 = arith.addi %iota3A, %add3A_41 : vector<896x16xi32>
    %mul3A_43 = arith.constant 16 : i32
    %mul3A_44 = vector.broadcast %mul3A_43 : i32 to vector<896x16xi32>
    %mul3A_45 = arith.muli %add3A_42, %mul3A_44 : vector<896x16xi32>
    %iota3A_46 = tpu.iota {dimensions = array<i32: 1>} : vector<896x16xi32>
    %add3A_47 = arith.addi %mul3A_45, %iota3A_46 : vector<896x16xi32>
    %lt3A = arith.constant 100000 : i32
    %lt3A_48 = vector.broadcast %lt3A : i32 to vector<896x16xi32>
    %lt3A_49 = arith.cmpi slt, %add3A_47, %lt3A_48 : vector<896x16xi32>
    %jit3A = arith.constant 0.000000e+00 : f32
    %broadcast_in_dim3A = vector.broadcast %jit3A : f32 to vector<896x16xf32>
    %select_n3A = arith.select %lt3A_49, %mul3A_38, %broadcast_in_dim3A : vector<896x16xi1>, vector<896x16xf32>
    %get3A_50 = arith.constant 0 : index
    %get3A_51 = arith.constant 0 : index
    %get3A_52 = vector.load %arg9[%get3A_50, %get3A_51] : memref<16x256xf32, #tpu.memory_space<vmem>>, vector<16x256xf32>
    %dot_general3A_53 = arith.constant dense<0.000000e+00> : vector<896x256xf32>
    %dot_general3A_54 = tpu.matmul %select_n3A, %get3A_52, %dot_general3A_53 {dimension_numbers = #tpu.dot_dimension_numbers<[1], [0], [0], [1], [0, 0, 1, 1], [], []>, transpose_lhs_hint = false} : vector<896x16xf32>, vector<16x256xf32>, vector<896x256xf32> -> vector<896x256xf32>
    %get3A_55 = arith.constant 0 : index
    %get3A_56 = arith.constant 0 : index
    %get3A_57 = vector.load %arg16[%get3A_55, %get3A_56] : memref<1x256xf32, #tpu.memory_space<vmem>>, vector<1x256xf32>
    %mul3A_58 = arith.mulf %dot_general3A_54, %max3A_29 : vector<896x256xf32>
    %reduce_sum3A = arith.constant dense<0.000000e+00> : vector<256xf32>
    %reduce_sum3A_59 = vector.multi_reduction <add>, %mul3A_58, %reduce_sum3A [0] : vector<896x256xf32> to vector<256xf32>
    %broadcast_in_dim3A_60 = vector.shape_cast %reduce_sum3A_59 : vector<256xf32> to vector<1x256xf32>
    %add3A_61 = arith.addf %get3A_57, %broadcast_in_dim3A_60 : vector<1x256xf32>
    %swap3A = arith.constant 0 : index
    %swap3A_62 = arith.constant 0 : index
    %swap3A_63 = vector.load %arg16[%swap3A, %swap3A_62] : memref<1x256xf32, #tpu.memory_space<vmem>>, vector<1x256xf32>
    tpu.vector_store %arg16[%swap3A, %swap3A_62], %add3A_61 {strides = array<i32>} : memref<1x256xf32, #tpu.memory_space<vmem>>, vector<1x256xf32>,
    %eq3A_64 = arith.constant 6 : i32
    %eq3A_65 = arith.cmpi eq, %arg0, %eq3A_64 : i32
    %convert_element_type3A_66 = arith.extui %eq3A_65 : i1 to i32
    %cond3A_67 = arith.constant 0 : i32
    %cond3A_68 = arith.cmpi ne, %convert_element_type3A_66, %cond3A_67 : i32
    scf.if %cond3A_68 {
      %get3A_69 = arith.constant 0 : index
      %get3A_70 = arith.constant 0 : index
      %get3A_71 = vector.load %arg16[%get3A_69, %get3A_70] : memref<1x256xf32, #tpu.memory_space<vmem>>, vector<1x256xf32>
      %get3A_72 = arith.constant 0 : index
      %get3A_73 = arith.constant 0 : index
      %get3A_74 = vector.load %arg10[%get3A_72, %get3A_73] : memref<256x16xf32, #tpu.memory_space<vmem>>, vector<256x16xf32>
      %dot_general3A_75 = arith.constant dense<0.000000e+00> : vector<1x16xf32>
      %dot_general3A_76 = tpu.matmul %get3A_71, %get3A_74, %dot_general3A_75 {dimension_numbers = #tpu.dot_dimension_numbers<[1], [0], [0], [1], [0, 0, 1, 1], [], []>, transpose_lhs_hint = false} : vector<1x256xf32>, vector<256x16xf32>, vector<1x16xf32> -> vector<1x16xf32>
      %get3A_77 = arith.constant 0 : index
      %get3A_78 = arith.constant 0 : index
      %get3A_79 = vector.load %arg11[%get3A_77, %get3A_78] : memref<16x64xf32, #tpu.memory_space<vmem>>, vector<16x64xf32>
      %dot_general3A_80 = arith.constant dense<0.000000e+00> : vector<1x64xf32>
      %dot_general3A_81 = tpu.matmul %dot_general3A_76, %get3A_79, %dot_general3A_80 {dimension_numbers = #tpu.dot_dimension_numbers<[1], [0], [0], [1], [0, 0, 1, 1], [], []>, transpose_lhs_hint = false} : vector<1x16xf32>, vector<16x64xf32>, vector<1x64xf32> -> vector<1x64xf32>
      %mul3A_82 = arith.constant 9.99999974E-6 : f32
      %mul3A_83 = vector.broadcast %mul3A_82 : f32 to vector<1x64xf32>
      %mul3A_84 = arith.mulf %dot_general3A_81, %mul3A_83 : vector<1x64xf32>
      %get3A_85 = arith.constant 0 : index
      %get3A_86 = arith.constant 0 : index
      %get3A_87 = vector.load %arg12[%get3A_85, %get3A_86] : memref<1x64xf32, #tpu.memory_space<vmem>>, vector<1x64xf32>
      %add3A_88 = arith.addf %mul3A_84, %get3A_87 : vector<1x64xf32>
      %get3A_89 = arith.constant 0 : index
      %get3A_90 = arith.constant 0 : index
      %get3A_91 = vector.load %arg13[%get3A_89, %get3A_90] : memref<64x10xf32, #tpu.memory_space<vmem>>, vector<64x10xf32>
      %dot_general3A_92 = arith.constant dense<0.000000e+00> : vector<1x10xf32>
      %dot_general3A_93 = tpu.matmul %add3A_88, %get3A_91, %dot_general3A_92 {dimension_numbers = #tpu.dot_dimension_numbers<[1], [0], [0], [1], [0, 0, 1, 1], [], []>, transpose_lhs_hint = false} : vector<1x64xf32>, vector<64x10xf32>, vector<1x10xf32> -> vector<1x10xf32>
      %get3A_94 = arith.constant 0 : index
      %get3A_95 = arith.constant 0 : index
      %get3A_96 = vector.load %arg14[%get3A_94, %get3A_95] : memref<1x10xf32, #tpu.memory_space<vmem>>, vector<1x10xf32>
      %add3A_97 = arith.addf %dot_general3A_93, %get3A_96 : vector<1x10xf32>
      %swap3A_98 = arith.constant 0 : index
      %swap3A_99 = arith.constant 0 : index
      %swap3A_100 = vector.load %arg15[%swap3A_98, %swap3A_99] : memref<1x10xf32, #tpu.memory_space<vmem>>, vector<1x10xf32>
      tpu.vector_store %arg15[%swap3A_98, %swap3A_99], %add3A_97 {strides = array<i32>} : memref<1x10xf32, #tpu.memory_space<vmem>>, vector<1x10xf32>,
    } else {
    }
    return
  }
  func.func @transform_0(%arg0: i32) -> (i32, i32) {
    %c0_i32 = arith.constant 0 : i32
    %c0_i32_0 = arith.constant 0 : i32
    return %arg0, %c0_i32 : i32, i32
  }
  func.func @transform_1(%arg0: i32) -> (i32, i32) {
    %c0_i32 = arith.constant 0 : i32
    %c0_i32_0 = arith.constant 0 : i32
    return %arg0, %c0_i32 : i32, i32
  }
  func.func @transform_2(%arg0: i32) -> (i32, i32) {
    %c0_i32 = arith.constant 0 : i32
    %c0_i32_0 = arith.constant 0 : i32
    return %arg0, %c0_i32 : i32, i32
  }
  func.func @transform_3(%arg0: i32) -> (i32, i32) {
    %c0_i32 = arith.constant 0 : i32
    %c0_i32_0 = arith.constant 0 : i32
    return %arg0, %c0_i32 : i32, i32
  }
  func.func @transform_4(%arg0: i32) -> (i32, i32) {
    %c0_i32 = arith.constant 0 : i32
    %c0_i32_0 = arith.constant 0 : i32
    return %arg0, %c0_i32 : i32, i32
  }
  func.func @transform_5(%arg0: i32) -> (i32, i32) {
    %c0_i32 = arith.constant 0 : i32
    %c0_i32_0 = arith.constant 0 : i32
    return %arg0, %c0_i32 : i32, i32
  }
  func.func @transform_6(%arg0: i32) -> (i32, i32) {
    %c0_i32 = arith.constant 0 : i32
    %c0_i32_0 = arith.constant 0 : i32
    %c0_i32_1 = arith.constant 0 : i32
    return %c0_i32, %c0_i32_0 : i32, i32
  }
  func.func @transform_7(%arg0: i32) -> (i32, i32) {
    %c0_i32 = arith.constant 0 : i32
    %c0_i32_0 = arith.constant 0 : i32
    %c0_i32_1 = arith.constant 0 : i32
    return %c0_i32, %c0_i32_0 : i32, i32
  }
  func.func @transform_8(%arg0: i32) -> (i32, i32) {
    %c0_i32 = arith.constant 0 : i32
    %c0_i32_0 = arith.constant 0 : i32
    %c0_i32_1 = arith.constant 0 : i32
    return %c0_i32, %c0_i32_0 : i32, i32
  }
  func.func @transform_9(%arg0: i32) -> (i32, i32) {
    %c0_i32 = arith.constant 0 : i32
    %c0_i32_0 = arith.constant 0 : i32
    %c0_i32_1 = arith.constant 0 : i32
    return %c0_i32, %c0_i32_0 : i32, i32
  }
  func.func @transform_10(%arg0: i32) -> (i32, i32) {
    %c0_i32 = arith.constant 0 : i32
    %c0_i32_0 = arith.constant 0 : i32
    %c0_i32_1 = arith.constant 0 : i32
    return %c0_i32, %c0_i32_0 : i32, i32
  }
  func.func @transform_11(%arg0: i32) -> (i32, i32) {
    %c0_i32 = arith.constant 0 : i32
    %c0_i32_0 = arith.constant 0 : i32
    %c0_i32_1 = arith.constant 0 : i32
    return %c0_i32, %c0_i32_0 : i32, i32
  }
  func.func @transform_12(%arg0: i32) -> (i32, i32) {
    %c0_i32 = arith.constant 0 : i32
    %c0_i32_0 = arith.constant 0 : i32
    %c0_i32_1 = arith.constant 0 : i32
    return %c0_i32, %c0_i32_0 : i32, i32
  }
  func.func @transform_13(%arg0: i32) -> (i32, i32) {
    %c0_i32 = arith.constant 0 : i32
    %c0_i32_0 = arith.constant 0 : i32
    %c0_i32_1 = arith.constant 0 : i32
    return %c0_i32, %c0_i32_0 : i32, i32
  }
  func.func @transform_14(%arg0: i32) -> (i32, i32) {
    %c0_i32 = arith.constant 0 : i32
    %c0_i32_0 = arith.constant 0 : i32
    %c0_i32_1 = arith.constant 0 : i32
    return %c0_i32, %c0_i32_0 : i32, i32
  }
}

</mosaic_0001>

<sc_bundles>
// kernel: kernel.6.cloned.1.call-start
scs
__scs_entry_jumppad:
0x0: {  	(pc) =	sbr.rel $0x88, $3  }
0x1: {  	(tag) =	ssettag $0x0;
	lr =	simm.s32 $0x1  }
0x2: {  	[smem:$0x3F99] =	sst lr;
	_ =	strace $0xD0000000  }
0x3: {  	_ = 	snop  }
0x4: {  	_ = 	snop  }
0x5: {  	_ = 	snop  }
0x6: {  	_ = 	snop  }
0x7: {  	_ = 	snop  }
__scs_overlays_trampoline_lowered:
0x8: {  	[smem:$0x3FA8] =	sst s0  }
0x9: {  	[smem:$0x3FA9] =	sst s1  }
0xa: {  	[smem:$0x3FAA] =	sst s2  }
0xb: {  	[smem:$0x3FAB] =	sst s3  }
0xc: {  	[smem:$0x3FAC] =	sst s4  }
0xd: {  	[smem:$0x3FAD] =	sst s5  }
0xe: {  	[smem:$0x3FAE] =	sst s6  }
0xf: {  	[smem:$0x3FAF] =	sst s7  }
0x10: {  	[smem:$0x3FB0] =	sst s8  }
0x11: {  	[smem:$0x3FB1] =	sst s9;
	s0 =	simm.s32 @!p0 $0x0  }
0x12: {  	s1 =	sld [smem:$0x3F97];
	s0 =	simm.s32 @p0 $0x1  }
0x13: {  	[smem:$0x3FB2] =	sst s0;
	s0 =	simm.s32 @!p1 $0x0  }
0x14: {  	s2 =	sld [smem:$0x3F96];
	s0 =	simm.s32 @p1 $0x1  }
0x15: {  	[smem:$0x3FB3] =	sst s0;
	s0 =	simm.s32 @!p2 $0x0  }
0x16: {  	s3 =	sld [smem:$0x3FDB];
	s0 =	simm.s32 @p2 $0x1  }
0x17: {  	s4 =	simm.s32 $0x1BF5;
	[smem:$0x3FB5] =	sst s0  }
0x18: {  	s0 =	sld [smem:$0x3F98];
	_ =	swait.ge [sflag:s4], $0x0  }
0x19: {  	s7 =	sld [smem:$0x3F99]  }
0x1a: {  	s8 =	sadd.s32 $0xFFFFE003, lr  }
0x1b: {  	s9 =	sadd.s32 $0xFFFFFEF7, lr;
	s5 =	simm.s32 $0xFFFFFFFF;
	p2 =	slt.u32 s8, $0xFFFFF086  }
0x1c: {  	p1 =	slt.u32 s9, $0xF7A;
	s5 =	simm.s32 @!p2 $0x0  }
0x1d: {  	s5 =	simm.s32 @p1 $0x1;
	p0 =	seq.s32 s7, s2  }
0x1e: {  	s7 =	smul.u32 @!p0 $0xF7A, s2;
	p2 =	seq.s32 @!p0 s5, $0x0  }
0x1f: {  	s9 =	smul.u32 $0xF7A, s1;
	s8 =	simm.s32 @!p0 $0x1BF5;
	p2 =	por !p2, p0  }
0x20: {  	[sflag:s8] =	ssyncset.s32 @!p0 $0xFFFFF086;
	s6 =	sadd.s32 @!p0 s3, s7;
	s7 =	simm.s32 @!p0 $0x108  }
0x21: {  	s3 =	sadd.s32 s3, s9;
	s6 =	sadd.s32 @!p0 $0x88, s6;
	s7 =	simm.s32 @p2 $0x1082  }
0x22: {  	[simem:s7], [sflag:s8] =	dma.local @!p0 [hbm:s6], $0xF7A  }
0x23: {  	s9 =	sor.u32 $0xD0000000, s2;
	s6 =	simm.s32 $0x108;
	_ =	swait.ge @!p0 [sflag:s8], $0x0  }
0x24: {  	s3 =	sadd.s32 $0x88, s3;
	s6 =	simm.s32 @!p1 $0x1082;
	[sflag:s4] =	ssyncset.s32 $0xFFFFF086  }
0x25: {  	[simem:s6], [sflag:s4] =	dma.local [hbm:s3], $0xF7A  }
0x26: {  	[smem:$0x3F99] =	sst s1;
	(tag) =	ssettag s2;
	_ =	strace s9  }
0x27: {  	s1 =	sld [smem:$0x3FA9]  }
0x28: {  	s2 =	sld [smem:$0x3FAA]  }
0x29: {  	s4 =	sld [smem:$0x3FAC]  }
0x2a: {  	p0 =	seq.s32 s5, $0x0;
	s5 =	sld [smem:$0x3FAD]  }
0x2b: {  	s6 =	sld [smem:$0x3FAE]  }
0x2c: {  	s7 =	sld [smem:$0x3FAF]  }
0x2d: {  	s3 =	simm.s32 $0x108;
	s8 =	sld [smem:$0x3FB0]  }
0x2e: {  	s3 =	simm.s32 @!p0 $0x1082;
	s9 =	sld [smem:$0x3FB1]  }
0x2f: {  	lr =	sadd.s32 s0, s3;
	s0 =	sld [smem:$0x3FA8]  }
0x30: {  	s3 =	sld [smem:$0x3FAB]  }
0x31: {  	[smem:$0x3FB4] =	sst s10  }
0x32: {  	s10 =	sld [smem:$0x3FB2];
	_ =	sdelay $0x3  }
0x33: {  	p0 =	seq.s32 s10, $0x1;
	s10 =	sld [smem:$0x3FB4];
	_ =	sdelay $0x3  }
0x34: {  	[smem:$0x3FB4] =	sst s10  }
0x35: {  	s10 =	sld [smem:$0x3FB3];
	_ =	sdelay $0x3  }
0x36: {  	p1 =	seq.s32 s10, $0x1;
	s10 =	sld [smem:$0x3FB4];
	_ =	sdelay $0x3  }
0x37: {  	[smem:$0x3FB4] =	sst s10  }
0x38: {  	s10 =	sld [smem:$0x3FB5]  }
0x39: {  	_ = 	snop;
	(pc) =	sbr.ind lr, $3  }
0x3a: {  	_ = 	snop  }
0x3b: {  	_ = 	snop  }
0x3c: {  	p2 =	seq.s32 s10, $0x1;
	s10 =	sld [smem:$0x3FB4]  }
0x3d: {  	_ =	shalt  }
0x3e: {  	_ =	shalt  }
0x3f: {  	_ =	shalt  }
0x40: {  	_ =	shalt  }
0x41: {  	_ =	shalt  }
0x42: {  	_ =	shalt  }
0x43: {  	_ =	shalt  }
0x44: {  	_ =	shalt  }
0x45: {  	_ =	shalt  }
0x46: {  	_ =	shalt  }
0x47: {  	_ =	shalt  }
0x48: {  	_ =	shalt  }
0x49: {  	_ =	shalt  }
0x4a: {  	_ =	shalt  }
0x4b: {  	_ =	shalt  }
0x4c: {  	_ =	shalt  }
0x4d: {  	_ =	shalt  }
0x4e: {  	_ =	shalt  }
0x4f: {  	_ =	shalt  }
0x50: {  	_ =	shalt  }
0x51: {  	_ =	shalt  }
0x52: {  	_ =	shalt  }
0x53: {  	_ =	shalt  }
0x54: {  	_ =	shalt  }
0x55: {  	_ =	shalt  }
0x56: {  	_ =	shalt  }
0x57: {  	_ =	shalt  }
0x58: {  	_ =	shalt  }
0x59: {  	_ =	shalt  }
0x5a: {  	_ =	shalt  }
0x5b: {  	_ =	shalt  }
0x5c: {  	_ =	shalt  }
0x5d: {  	_ =	shalt  }
0x5e: {  	_ =	shalt  }
0x5f: {  	_ =	shalt  }
0x60: {  	_ =	shalt  }
0x61: {  	_ =	shalt  }
0x62: {  	_ =	shalt  }
0x63: {  	_ =	shalt  }
0x64: {  	_ =	shalt  }
0x65: {  	_ =	shalt  }
0x66: {  	_ =	shalt  }
0x67: {  	_ =	shalt  }
0x68: {  	_ =	shalt  }
0x69: {  	_ =	shalt  }
0x6a: {  	_ =	shalt  }
0x6b: {  	_ =	shalt  }
0x6c: {  	_ =	shalt  }
0x6d: {  	_ =	shalt  }
0x6e: {  	_ =	shalt  }
0x6f: {  	_ =	shalt  }
0x70: {  	_ =	shalt  }
0x71: {  	_ =	shalt  }
0x72: {  	_ =	shalt  }
0x73: {  	_ =	shalt  }
0x74: {  	_ =	shalt  }
0x75: {  	_ =	shalt  }
0x76: {  	_ =	shalt  }
0x77: {  	_ =	shalt  }
0x78: {  	_ =	shalt  }
0x79: {  	_ =	shalt  }
0x7a: {  	_ =	shalt  }
0x7b: {  	_ =	shalt  }
0x7c: {  	_ =	shalt  }
0x7d: {  	_ =	shalt  }
0x7e: {  	_ =	shalt  }
0x7f: {  	_ =	shalt  }
0x80: {  	_ =	shalt  }
0x81: {  	_ =	shalt  }
0x82: {  	_ =	shalt  }
0x83: {  	_ =	shalt  }
0x84: {  	_ =	shalt  }
0x85: {  	_ =	shalt  }
0x86: {  	_ =	shalt  }
0x87: {  	_ =	shalt  }
.Lfunc_end0:
.L_simem_size_0:
called_computation_lowered:
.L_overlay_start_0:
0x88: {  	s2 =	sld [smem:$0x3FD9]  }
0x89: {  	s3 =	sld [smem:$0x3FFE];
	_ =	sdelay $0x1  }
0x8a: {  	s1 =	srdreg.scid  }
0x8b: {  	s0 =	sand.u32 $0x1, s1  }
0x8c: {  	s17 =	sshll.u32 s0, $0xA;
	s2 =	sadd.s32 s3, s2  }
0x8d: {  	s2 =	sadd.s32 s2, s17  }
0x8e: {  	[smem:$0x3FC0] =	sst s2  }
0x8f: {  	_ = 	snop  }
0x90: {  	s2 =	sld [smem:$0x3FD0];
	(tm) =	ssettm $0x1  }
0x91: {  	s18 =	sld [smem:$0x3FFB];
	_ =	sdelay $0x3  }
0x92: {  	_ =	strace s18  }
0x93: {  	s3 =	sld [smem:$0x3FFC];
	_ =	sdelay $0x3  }
0x94: {  	_ =	strace s3  }
0x95: {  	s3 =	sld [smem:$0x3FFD];
	_ =	sdelay $0x3  }
0x96: {  	_ =	strace s3  }
0x97: {  	_ =	strace $0x8FFFFFFF  }
0x98: {  	s19 =	sld [smem:$0x3FDB];
	_ =	sdelay $0x1  }
0x99: {  	s4 =	simm.s32 $_scs_section_size  }
0x9a: {  	s5 =	simm.s32 $_size__tile_overlayer_lowered;
	s6 =	simm.s32 $_tile_overlayer_lowered  }
0x9b: {  	s22 =	simm.s32 $0x1BFF;
	s21 =	sshll.u32 s6, $0x1;
	s3 =	sadd.s32 s4, s19  }
0x9c: {  	s7 =	simm.s32 $0x0;
	s20 =	sshll.u32 s5, $0x1;
	s5 =	sadd.s32 s21, s3  }
0x9d: {  	[timem:s7], [sflag:s22] =	dma.local [hbm:s5], s20  }
0x9e: {  	_ =	swait.ge [sflag:s22], s20  }
0x9f: {  	s4 =	ssub.s32 $0x0, s20;
	[sflag:s22] =	ssyncset.done $0x0  }
0xa0: {  	[sflag:s22] =	ssyncadd.s32 s4;
	_ =	sdelay $0x1  }
0xa1: {  	s23 =	simm.s32 $0x1B8B  }
0xa2: {  	_ =	swait.ge [sflag:s23], $0x1  }
0xa3: {  	[sflag:s23] =	ssyncset.done $0x0  }
0xa4: {  	s25 =	simm.s32 $0x1B8E;
	s24 =	sld [smem:$0x3FFE];
	[sflag:s23] =	ssyncadd.s32 $0xFFFFFFFF  }
0xa5: {  	s26 =	simm.s32 $execute0_lowered;
	[smem:$0x3FD2] =	sst s25  }
0xa6: {  	s5 =	sshll.u32 s26, $0x1;
	_ =	strace $0x80000046;
	[dreg:$0x1] =	wrdreg $0xFFFFFFFF  }
0xa7: {  	s28 =	simm.s32 $_size_execute0_lowered;
	s3 =	sadd.s32 s3, s5;
	[dreg:$0x0] =	wrdreg $0x0  }
0xa8: {  	s5 =	sshll.u32 s28, $0x1;
	[dreg:$0x2] =	wrdreg s3  }
0xa9: {  	[dreg:$0x3] =	wrdreg s5  }
0xaa: {  	[dreg:$0x4] =	wrdreg $0xC0  }
0xab: {  	_ =	task [dreg:s7], $0x5FFFF  }
0xac: {  	[dreg:$0x1] =	wrdreg $0xFFFFFFFF  }
0xad: {  	[dreg:$0x0] =	wrdreg $0x60  }
0xae: {  	[dreg:$0x2] =	wrdreg s24  }
0xaf: {  	[dreg:$0x3] =	wrdreg s2  }
0xb0: {  	[dreg:$0x4] =	wrdreg $0xC800  }
0xb1: {  	[dreg:$0x5] =	wrdreg $0x9  }
0xb2: {  	_ =	task.clear_ibuf [dreg:s7], $0x6FFFF;
	_ =	strace $0x90000046  }
0xb3: {  	s29 =	simm.s32 $0x9;
	_ =	strace $0x80000048  }
0xb4: {  	_ =	swait.ge [sflag:s29], $0x1  }
0xb5: {  	[sflag:s29] =	ssyncadd.s32 $0xFFFFFFFF  }
0xb6: {  	_ =	strace $0x90000048  }
0xb7: {  	_ =	sfence  }
0xb8: {  	s30 =	sld [smem:$0x0];
	_ =	sdelay $0x2  }
0xb9: {  	s31 =	sshll.u32 s1, $0xD;
	s1 =	sshrl.u32 s1, $0x2  }
0xba: {  	s3 =	sand.u32 $0x4000, s31;
	s1 =	sadd.s32 s1, s30  }
0xbb: {  	s0 =	sor.u32 s3, s0;
	s1 =	sshll.u32 s1, $0x11  }
0xbc: {  	s0 =	sor.u32 s1, s0  }
0xbd: {  	s0 =	sadd.s32 $0x8F2B, s0  }
0xbe: {  	[sflag:s0] =	ssyncadd.remote.s32 $0x1  }
0xbf: {  	_ =	sfence.sel $0xFFFF  }
0xc0: {  	[dreg:$0x0] =	wrdreg $0xFFFFFFFF;
	(pc) =	sbr.abs _section_cstart, $3  }
0xc1: {  	[dreg:$0x1] =	wrdreg $0xFFFFFFFF  }
0xc2: {  	_ =	task.clear_ibuf [dreg:s7], $0x2FFFF;
	_ =	strace $0x9FFFFFFF  }
0xc3: {  	(tm) =	ssettm $0x7FFFFFFF  }
tec
execute0_lowered:
.L_overlay_start_1:
0x0: {  	(tag) =	ssettag $0x1  }
0x1: {  	s9 =	rddreg [dreg:$0x0]  }
0x2: {  	s1 =	rddreg [dreg:$0x1]  }
0x3: {  	s2 =	rddreg [dreg:$0x2]  }
0x4: {  	s3 =	srdreg.scid;
	s0 =	rddreg [dreg:$0x3]  }
0x5: {  	s4 =	simm.s32 $0x0;
	s8 =	sand.u32 $0x1, s3;
	s3 =	stileid.u32  }
0x6: {  	[smem:$0x7FF] =	sst s4;
	s14 =	smul.u32 $0x1880, s3  }
0x7: {  	s10 =	sadd.s32 $0x3000, s9;
	s5 =	sshll.u32 s8, $0x4;
	s30 =	smul.u32 $0x610, s8  }
0x8: {  	_ =	strace $0x80000047;
	s6 =	ssub.s32 $0x2, s8;
	s15 =	smul.u32 $0x61, s3  }
0x9: {  	s31 =	sshll.u32 s3, $0x6;
	s7 =	sor.u32 s3, s5;
	s11 =	sshrl.u32 s6, $0x1  }
0xa: {  	s5 =	sadd.s32 $0xC6600, s9;
	s12 =	smul.u32 $0x61, s7;
	s11 =	ssub.s32 s6, s11  }
0xb: {  	s13 =	smin.u32 s7, $0x15;
	p0 =	slt.u32 s7, $0x15;
	s6 =	simm.s32 $0x310  }
0xc: {  	s16 =	sadd.s32 s14, s2;
	s14 =	sshrl.u32 s14, $0x3;
	s6 =	simm.s32 @!p0 $0x308  }
0xd: {  	p0 =	seq.s32 s8, $0x1;
	s12 =	sadd.s32 s13, s12;
	s8 =	sadd.s32 $0xFFFFFFF8, s6  }
0xe: {  	s29 =	sshll.u32 s12, $0x7;
	s12 =	sadd.s32 s30, s13;
	s13 =	simm.s32 $0xC6A00  }
0xf: {  	s7 =	sadd.s32 s29, s10;
	s12 =	sadd.s32 s15, s12;
	s13 =	simm.s32 @!p0 $0xC9C00  }
0x10: {  	s15 =	sshrl.u32 s16, $0x3;
	s16 =	simm.s32 $0x0;
	s7 =	sadd.s32 $0x61A80, s7  }
0x11: {  	s12 =	sshll.u32 s12, $0x7;
	s13 =	sadd.s32 s13, s9;
	s9 =	smax.u32 s11, $0x1  }
0x12: {  	s12 =	sadd.s32 s12, s10;
	s10 =	sadd.s32 s13, s14;
	s13 =	simm.s32 $0x4  }
0x13: {  	s14 =	sor.u32 $0x1C04, s31;
	s11 =	sadd.s32 $0x61B00, s12;
	s12 =	simm.s32 $0xC00  }
.LBB2_1:
0x14: {  	[tilespmem:s12], [sflag:$0x4] =	stream.linear.gather [hbm4b:s1+s4], $0x80, $0x38;
	[tilespmem:$0x2500] =	vst v63  }
0x15: {  	s17 =	sand.u32 $0x7, s4  }
0x16: {  	_ =	swait.ge [sflag:s13], $0x80;
	p0 =	sne.s32 s17, $0x0  }
0x17: {  	[sflag:s13] =	ssyncset.done $0x0;
	p1 =	sle.u32 @!p0 s8, $0x0  }
0x18: {  	s19 =	simm.s32 $0x0;
	[sflag:s13] =	ssyncadd.s32 $0xFFFFFF80;
	p1 =	por p1, p0  }
0x19: {  	[spmem:s15], [sflag:s14] =	dma.local [hbm:s5], $0x310  }
0x1a: {  	s19 =	smul.u32 $0xAB, s19;
	s18 =	simm.s32 @!p1 $0x1  }
0x1b: {  	s20 =	simm.s32 $0x1;
	p0 =	sle.u32 s6, $0x0;
	s18 =	sand.u32 @!p1 $0xFF, s18  }
0x1c: {  	s19 =	sshrl.u32 s19, $0x9;
	_ =	swait.ge [sflag:s13], $0x310;
	s18 =	smul.u32 @!p1 $0xAB, s18  }
0x1d: {  	p2 =	sne.s32 @!p0 s17, $0x0;
	s24 =	sshll.u32 @!p0 s17, $0x7;
	[sflag:s13] =	ssyncset.done $0x0  }
0x1e: {  	s31 =	sand.u32 $0x7F, s19;
	[sflag:s13] =	ssyncadd.s32 $0xFFFFFCF0;
	s18 =	sshrl.u32 @!p1 s18, $0x9  }
0x1f: {  	s17 =	sadd.s32 $0x10, s11;
	[bflag:$0x0] =	sbarrier.arrive $0xFFFF;
	s21 =	smul.u32 @!p1 $0x3, s18  }
0x20: {  	[tilespmem:s4], [sflag:$0x1] =	stream.linear.gather [hbm4b:s7+s4], $0x400, $0x38;
	[tilespmem:$0x2500] =	vst v63  }
0x21: {  	p0 =	por p0, p0;
	s19 =	smul.u32 $0x3, s31;
	s21 =	ssub.s32 @!p1 $0x1, s21  }
0x22: {  	s22 =	simm.s32 @!p1 $0x0;
	p4 =	por p2, p0;
	s21 =	sand.u32 @!p1 $0xFF, s21  }
0x23: {  	s19 =	ssub.s32 $0x0, s19;
	s23 =	sshll.u32 @!p1 s21, $0xA;
	s21 =	sadd.s32 @!p1 $0x1, s21  }
0x24: {  	[tilespmem:s23], [sflag:s21] =	stream.linear.gather @!p1 [hbm4b:s11+s22], $0x400, $0x38;
	[tilespmem:$0x2500] =	vst v63  }
0x25: {  	s18 =	simm.s32 $0x2;
	p1 =	sle.u32 s6, $0x1;
	s22 =	sand.u32 $0xFF, s19  }
0x26: {  	s19 =	simm.s32 @!p0 $0x4;
	s21 =	sand.u32 $0x7, s20;
	s20 =	simm.s32 $0x0  }
0x27: {  	s23 =	sadd.s32 @!p4 $0x1, s22;
	p3 =	sne.s32 s21, $0x0;
	p2 =	sne.s32 @!p1 s21, $0x0  }
0x28: {  	s25 =	sshll.u32 @!p0 s22, $0xA;
	_ =	swait.ge @!p4 [sflag:s23], $0x400;
	p5 =	sle.u32 @!p3 s8, $0x1  }
0x29: {  	s24 =	sor.u32 @!p0 s24, s25;
	[sflag:s23] =	ssyncset.done @!p4 $0x0;
	p3 =	por p5, p3  }
0x2a: {  	[sflag:s23] =	ssyncadd.s32 @!p4 $0xFFFFFC00;
	s23 =	smul.u32 $0xAB, s20;
	s22 =	simm.s32 @!p3 $0x1  }
.LBB2_2:
0x2b: {  	s25 =	sand.u32 @!p3 $0xFF, s22;
	s26 =	sshll.u32 @!p1 s21, $0x7  }
0x2c: {  	s21 =	simm.s32 @!p0 $0xC00;
	s28 =	smov.u32 s18;
	s29 =	smov.u32 s17  }
0x2d: {  	s30 =	simm.s32 @!p0 $0x80;
	s23 =	sshrl.u32 s23, $0x9;
	s25 =	smul.u32 @!p3 $0xAB, s25  }
0x2e: {  	[spmem:s2] =	stream.indirect.scatter.add.f32 @!p0 [tilespmem:s21], [sflag:$0x4], $0x1, s24, s30, $0xb8;
	[tilespmem:$0x2500] =	vst v63  }
0x2f: {  	s21 =	sand.u32 $0x7F, s23;
	s23 =	sshrl.u32 @!p3 s25, $0x9;
	_ =	swait.ge @!p0 [sflag:s19], $0x80  }
0x30: {  	s18 =	sadd.s32 $0x1, s18;
	s23 =	smul.u32 @!p3 $0x3, s23;
	[sflag:s19] =	ssyncset.done @!p0 $0x0  }
0x31: {  	p4 =	sne.s32 s18, $0x311;
	s21 =	smul.u32 $0x3, s21;
	[sflag:s19] =	ssyncadd.s32 @!p0 $0xFFFFFF80  }
0x32: {  	s17 =	sadd.s32 $0x10, s17;
	p0 =	por p1, p1;
	s19 =	ssub.s32 @!p3 s22, s23  }
0x33: {  	s22 =	simm.s32 @!p3 $0x0;
	p5 =	por p2, p0;
	s19 =	sand.u32 @!p3 $0xFF, s19  }
0x34: {  	s20 =	ssub.s32 s20, s21;
	s21 =	sshll.u32 @!p3 s19, $0xA;
	s19 =	sadd.s32 @!p3 $0x1, s19  }
0x35: {  	[tilespmem:s21], [sflag:s19] =	stream.linear.gather @!p3 [hbm4b:s29+s22], $0x400, $0x38;
	[tilespmem:$0x2500] =	vst v63  }
0x36: {  	p1 =	sge.u32 s28, s6;
	s20 =	sand.u32 $0xFF, s20;
	s19 =	simm.s32 @!p0 $0x4  }
.Ltmp0:
0x37: {  	s21 =	sand.u32 $0x7, s28;
	s22 =	sadd.s32 @!p5 $0x1, s20;
	(pc) =	sbr.rel @p4 .LBB2_2-.Ltmp0, $4  }
0x38: {  	p3 =	sne.s32 s21, $0x0;
	p2 =	sne.s32 @!p1 s21, $0x0;
	_ =	swait.ge @!p5 [sflag:s22], $0x400  }
0x39: {  	s24 =	sshll.u32 @!p0 s20, $0xA;
	p6 =	sge.u32 @!p3 s28, s8;
	[sflag:s22] =	ssyncset.done @!p5 $0x0  }
0x3a: {  	s20 =	sshrl.u32 s28, $0x3;
	p3 =	por p6, p3;
	[sflag:s22] =	ssyncadd.s32 @!p5 $0xFFFFFC00  }
0x3b: {  	s24 =	sor.u32 @!p0 s26, s24;
	s23 =	smul.u32 $0xAB, s20;
	s22 =	sadd.s32 @!p3 $0x1, s20  }
0x3c: {  	s18 =	sand.u32 @!p3 $0xFF, s22  }
0x3d: {  	s25 =	simm.s32 @!p0 $0xC00;
	s26 =	simm.s32 @!p0 $0x80;
	s18 =	smul.u32 @!p3 $0xAB, s18  }
0x3e: {  	[spmem:s2] =	stream.indirect.scatter.add.f32 @!p0 [tilespmem:s25], [sflag:$0x4], $0x1, s24, s26, $0xb8;
	[tilespmem:$0x2500] =	vst v63  }
0x3f: {  	s18 =	sshrl.u32 @!p3 s18, $0x9  }
0x40: {  	s23 =	sshrl.u32 s23, $0x9;
	_ =	swait.ge @!p0 [sflag:s19], $0x80;
	s18 =	smul.u32 @!p3 $0x3, s18  }
0x41: {  	s23 =	sand.u32 $0x7F, s23;
	[sflag:s19] =	ssyncset.done @!p0 $0x0  }
0x42: {  	s23 =	smul.u32 $0x3, s23;
	[sflag:s19] =	ssyncadd.s32 @!p0 $0xFFFFFF80;
	s18 =	ssub.s32 @!p3 s22, s18  }
0x43: {  	p0 =	por p1, p1;
	s19 =	simm.s32 @!p3 $0x0;
	s18 =	sand.u32 @!p3 $0xFF, s18  }
0x44: {  	s20 =	ssub.s32 s20, s23;
	s22 =	sshll.u32 @!p3 s18, $0xA;
	s18 =	sadd.s32 @!p3 $0x1, s18  }
0x45: {  	[tilespmem:s22], [sflag:s18] =	stream.linear.gather @!p3 [hbm4b:s17+s19], $0x400, $0x38;
	[tilespmem:$0x2500] =	vst v63  }
0x46: {  	p2 =	por p2, p0;
	s17 =	sand.u32 $0xFF, s20  }
0x47: {  	s18 =	sadd.s32 @!p2 $0x1, s17  }
0x48: {  	s19 =	sshll.u32 @!p1 s21, $0x7;
	s17 =	sshll.u32 @!p0 s17, $0xA;
	_ =	swait.ge @!p2 [sflag:s18], $0x400  }
0x49: {  	s20 =	simm.s32 @!p0 $0x4;
	s17 =	sor.u32 @!p0 s19, s17;
	[sflag:s18] =	ssyncset.done @!p2 $0x0  }
0x4a: {  	s19 =	simm.s32 @!p0 $0x80;
	[sflag:s18] =	ssyncadd.s32 @!p2 $0xFFFFFC00;
	s18 =	simm.s32 @!p0 $0xC00  }
0x4b: {  	[spmem:s2] =	stream.indirect.scatter.add.f32 @!p0 [tilespmem:s18], [sflag:$0x4], $0x1, s17, s19, $0xb8;
	[tilespmem:$0x2500] =	vst v63  }
0x4c: {  	_ =	swait.ge @!p0 [sflag:s20], $0x80  }
0x4d: {  	s16 =	sadd.s32 $0x1, s16;
	[sflag:s20] =	ssyncset.done @!p0 $0x0  }
0x4e: {  	[sflag:s20] =	ssyncadd.s32 @!p0 $0xFFFFFF80;
	p0 =	sne.s32 s16, s9  }
.Ltmp1:
0x4f: {  	[bflag:$0x0] =	sbarrier.arrive $0xFFFF;
	(pc) =	sbr.rel @p0 .LBB2_1-.Ltmp1, $4  }
0x50: {  	[hbm:s10], [sflag:s14] =	dma.local [spmem:s15], $0x310  }
0x51: {  	_ =	swait.ge [sflag:s13], $0x310  }
0x52: {  	[sflag:s13] =	ssyncset.done $0x0  }
0x53: {  	[sflag:s13] =	ssyncadd.s32 $0xFFFFFCF0  }
0x54: {  	_ =	sfence.sel $0x180000  }
0x55: {  	[bflag:$0x0] =	sbarrier.arrive $0xFFFF  }
0x56: {  	p0 =	sne.s32 s3, $0x0;
	_ =	strace $0x90000047  }
0x57: {  	s0 =	sadd.s32 @!p0 $0x100000, s0;
	[bflag:$0x2] =	sbarrier.arrive $0xFFFF  }
0x58: {  	[sflag:s0] =	ssyncadd.tile.s32 @!p0 $0x1;
	_ =	shalt  }
.Lfunc_end2:
_tile_overlayer_lowered:
.L_overlay_start_2:
0x59: {  	(tag) =	ssettag $0x2  }
0x5a: {  	s0 =	rddreg [dreg:$0x0];
	s2 =	stileid.u32  }
0x5b: {  	s1 =	rddreg [dreg:$0x1];
	p0 =	sne.s32 s2, $0x0  }
0x5c: {  	s3 =	rddreg [dreg:$0x2];
	[bflag:$0x3] =	sbarrier.arrive $0xFFFF;
	s2 =	simm.s32 @!p0 $0x1C04  }
0x5d: {  	[timem:s3], [sflag:s2] =	dma.local @!p0 [hbm:s0], s1  }
0x5e: {  	s0 =	simm.s32 @!p0 $0x4  }
0x5f: {  	_ =	swait.ge @!p0 [sflag:s0], s1  }
0x60: {  	s1 =	ssub.s32 @!p0 $0x0, s1;
	[sflag:s0] =	ssyncset.done @!p0 $0x0  }
0x61: {  	[sflag:s0] =	ssyncadd.s32 @!p0 s1  }
0x62: {  	[bflag:$0x3] =	sbarrier.arrive $0xFFFF  }
0x63: {  	_ =	shalt  }

// kernel: kernel.9.cloned.1.call-start
scs
__scs_entry_jumppad:
0x0: {  	(pc) =	sbr.rel $0x88, $3  }
0x1: {  	(tag) =	ssettag $0x0;
	lr =	simm.s32 $0x1  }
0x2: {  	[smem:$0x3F99] =	sst lr;
	_ =	strace $0xD0000000  }
0x3: {  	_ = 	snop  }
0x4: {  	_ = 	snop  }
0x5: {  	_ = 	snop  }
0x6: {  	_ = 	snop  }
0x7: {  	_ = 	snop  }
__scs_overlays_trampoline_lowered:
0x8: {  	[smem:$0x3FA8] =	sst s0  }
0x9: {  	[smem:$0x3FA9] =	sst s1  }
0xa: {  	[smem:$0x3FAA] =	sst s2  }
0xb: {  	[smem:$0x3FAB] =	sst s3  }
0xc: {  	[smem:$0x3FAC] =	sst s4  }
0xd: {  	[smem:$0x3FAD] =	sst s5  }
0xe: {  	[smem:$0x3FAE] =	sst s6  }
0xf: {  	[smem:$0x3FAF] =	sst s7  }
0x10: {  	[smem:$0x3FB0] =	sst s8  }
0x11: {  	[smem:$0x3FB1] =	sst s9;
	s0 =	simm.s32 @!p0 $0x0  }
0x12: {  	s1 =	sld [smem:$0x3F97];
	s0 =	simm.s32 @p0 $0x1  }
0x13: {  	[smem:$0x3FB2] =	sst s0;
	s0 =	simm.s32 @!p1 $0x0  }
0x14: {  	s2 =	sld [smem:$0x3F96];
	s0 =	simm.s32 @p1 $0x1  }
0x15: {  	[smem:$0x3FB3] =	sst s0;
	s0 =	simm.s32 @!p2 $0x0  }
0x16: {  	s3 =	sld [smem:$0x3FDB];
	s0 =	simm.s32 @p2 $0x1  }
0x17: {  	s4 =	simm.s32 $0x1BF5;
	[smem:$0x3FB5] =	sst s0  }
0x18: {  	s0 =	sld [smem:$0x3F98];
	_ =	swait.ge [sflag:s4], $0x0  }
0x19: {  	s7 =	sld [smem:$0x3F99]  }
0x1a: {  	s8 =	sadd.s32 $0xFFFFE003, lr  }
0x1b: {  	s9 =	sadd.s32 $0xFFFFFEF7, lr;
	s5 =	simm.s32 $0xFFFFFFFF;
	p2 =	slt.u32 s8, $0xFFFFF086  }
0x1c: {  	p1 =	slt.u32 s9, $0xF7A;
	s5 =	simm.s32 @!p2 $0x0  }
0x1d: {  	s5 =	simm.s32 @p1 $0x1;
	p0 =	seq.s32 s7, s2  }
0x1e: {  	s7 =	smul.u32 @!p0 $0xF7A, s2;
	p2 =	seq.s32 @!p0 s5, $0x0  }
0x1f: {  	s9 =	smul.u32 $0xF7A, s1;
	s8 =	simm.s32 @!p0 $0x1BF5;
	p2 =	por !p2, p0  }
0x20: {  	[sflag:s8] =	ssyncset.s32 @!p0 $0xFFFFF086;
	s6 =	sadd.s32 @!p0 s3, s7;
	s7 =	simm.s32 @!p0 $0x108  }
0x21: {  	s3 =	sadd.s32 s3, s9;
	s6 =	sadd.s32 @!p0 $0x88, s6;
	s7 =	simm.s32 @p2 $0x1082  }
0x22: {  	[simem:s7], [sflag:s8] =	dma.local @!p0 [hbm:s6], $0xF7A  }
0x23: {  	s9 =	sor.u32 $0xD0000000, s2;
	s6 =	simm.s32 $0x108;
	_ =	swait.ge @!p0 [sflag:s8], $0x0  }
0x24: {  	s3 =	sadd.s32 $0x88, s3;
	s6 =	simm.s32 @!p1 $0x1082;
	[sflag:s4] =	ssyncset.s32 $0xFFFFF086  }
0x25: {  	[simem:s6], [sflag:s4] =	dma.local [hbm:s3], $0xF7A  }
0x26: {  	[smem:$0x3F99] =	sst s1;
	(tag) =	ssettag s2;
	_ =	strace s9  }
0x27: {  	s1 =	sld [smem:$0x3FA9]  }
0x28: {  	s2 =	sld [smem:$0x3FAA]  }
0x29: {  	s4 =	sld [smem:$0x3FAC]  }
0x2a: {  	p0 =	seq.s32 s5, $0x0;
	s5 =	sld [smem:$0x3FAD]  }
0x2b: {  	s6 =	sld [smem:$0x3FAE]  }
0x2c: {  	s7 =	sld [smem:$0x3FAF]  }
0x2d: {  	s3 =	simm.s32 $0x108;
	s8 =	sld [smem:$0x3FB0]  }
0x2e: {  	s3 =	simm.s32 @!p0 $0x1082;
	s9 =	sld [smem:$0x3FB1]  }
0x2f: {  	lr =	sadd.s32 s0, s3;
	s0 =	sld [smem:$0x3FA8]  }
0x30: {  	s3 =	sld [smem:$0x3FAB]  }
0x31: {  	[smem:$0x3FB4] =	sst s10  }
0x32: {  	s10 =	sld [smem:$0x3FB2];
	_ =	sdelay $0x3  }
0x33: {  	p0 =	seq.s32 s10, $0x1;
	s10 =	sld [smem:$0x3FB4];
	_ =	sdelay $0x3  }
0x34: {  	[smem:$0x3FB4] =	sst s10  }
0x35: {  	s10 =	sld [smem:$0x3FB3];
	_ =	sdelay $0x3  }
0x36: {  	p1 =	seq.s32 s10, $0x1;
	s10 =	sld [smem:$0x3FB4];
	_ =	sdelay $0x3  }
0x37: {  	[smem:$0x3FB4] =	sst s10  }
0x38: {  	s10 =	sld [smem:$0x3FB5]  }
0x39: {  	_ = 	snop;
	(pc) =	sbr.ind lr, $3  }
0x3a: {  	_ = 	snop  }
0x3b: {  	_ = 	snop  }
0x3c: {  	p2 =	seq.s32 s10, $0x1;
	s10 =	sld [smem:$0x3FB4]  }
0x3d: {  	_ =	shalt  }
0x3e: {  	_ =	shalt  }
0x3f: {  	_ =	shalt  }
0x40: {  	_ =	shalt  }
0x41: {  	_ =	shalt  }
0x42: {  	_ =	shalt  }
0x43: {  	_ =	shalt  }
0x44: {  	_ =	shalt  }
0x45: {  	_ =	shalt  }
0x46: {  	_ =	shalt  }
0x47: {  	_ =	shalt  }
0x48: {  	_ =	shalt  }
0x49: {  	_ =	shalt  }
0x4a: {  	_ =	shalt  }
0x4b: {  	_ =	shalt  }
0x4c: {  	_ =	shalt  }
0x4d: {  	_ =	shalt  }
0x4e: {  	_ =	shalt  }
0x4f: {  	_ =	shalt  }
0x50: {  	_ =	shalt  }
0x51: {  	_ =	shalt  }
0x52: {  	_ =	shalt  }
0x53: {  	_ =	shalt  }
0x54: {  	_ =	shalt  }
0x55: {  	_ =	shalt  }
0x56: {  	_ =	shalt  }
0x57: {  	_ =	shalt  }
0x58: {  	_ =	shalt  }
0x59: {  	_ =	shalt  }
0x5a: {  	_ =	shalt  }
0x5b: {  	_ =	shalt  }
0x5c: {  	_ =	shalt  }
0x5d: {  	_ =	shalt  }
0x5e: {  	_ =	shalt  }
0x5f: {  	_ =	shalt  }
0x60: {  	_ =	shalt  }
0x61: {  	_ =	shalt  }
0x62: {  	_ =	shalt  }
0x63: {  	_ =	shalt  }
0x64: {  	_ =	shalt  }
0x65: {  	_ =	shalt  }
0x66: {  	_ =	shalt  }
0x67: {  	_ =	shalt  }
0x68: {  	_ =	shalt  }
0x69: {  	_ =	shalt  }
0x6a: {  	_ =	shalt  }
0x6b: {  	_ =	shalt  }
0x6c: {  	_ =	shalt  }
0x6d: {  	_ =	shalt  }
0x6e: {  	_ =	shalt  }
0x6f: {  	_ =	shalt  }
0x70: {  	_ =	shalt  }
0x71: {  	_ =	shalt  }
0x72: {  	_ =	shalt  }
0x73: {  	_ =	shalt  }
0x74: {  	_ =	shalt  }
0x75: {  	_ =	shalt  }
0x76: {  	_ =	shalt  }
0x77: {  	_ =	shalt  }
0x78: {  	_ =	shalt  }
0x79: {  	_ =	shalt  }
0x7a: {  	_ =	shalt  }
0x7b: {  	_ =	shalt  }
0x7c: {  	_ =	shalt  }
0x7d: {  	_ =	shalt  }
0x7e: {  	_ =	shalt  }
0x7f: {  	_ =	shalt  }
0x80: {  	_ =	shalt  }
0x81: {  	_ =	shalt  }
0x82: {  	_ =	shalt  }
0x83: {  	_ =	shalt  }
0x84: {  	_ =	shalt  }
0x85: {  	_ =	shalt  }
0x86: {  	_ =	shalt  }
0x87: {  	_ =	shalt  }
.Lfunc_end0:
.L_simem_size_0:
called_computation.1_lowered:
.L_overlay_start_0:
0x88: {  	s2 =	sld [smem:$0x3FD9]  }
0x89: {  	s3 =	sld [smem:$0x3FFE];
	_ =	sdelay $0x1  }
0x8a: {  	s1 =	srdreg.scid  }
0x8b: {  	s0 =	sand.u32 $0x1, s1  }
0x8c: {  	s16 =	sshll.u32 s0, $0xA;
	s2 =	sadd.s32 s3, s2  }
0x8d: {  	s2 =	sadd.s32 s2, s16  }
0x8e: {  	[smem:$0x3FC0] =	sst s2  }
0x8f: {  	_ = 	snop  }
0x90: {  	(tm) =	ssettm $0x1  }
0x91: {  	s17 =	sld [smem:$0x3FFB];
	_ =	sdelay $0x3  }
0x92: {  	_ =	strace s17  }
0x93: {  	s2 =	sld [smem:$0x3FFC];
	_ =	sdelay $0x3  }
0x94: {  	_ =	strace s2  }
0x95: {  	s2 =	sld [smem:$0x3FFD];
	_ =	sdelay $0x3  }
0x96: {  	_ =	strace s2  }
0x97: {  	_ =	strace $0x8FFFFFFF  }
0x98: {  	s18 =	sld [smem:$0x3FDB];
	_ =	sdelay $0x1  }
0x99: {  	s19 =	simm.s32 $_scs_section_size  }
0x9a: {  	s4 =	simm.s32 $_size__tile_overlayer_lowered;
	s5 =	simm.s32 $_tile_overlayer_lowered  }
0x9b: {  	s22 =	simm.s32 $0x1BFF;
	s21 =	sshll.u32 s5, $0x1;
	s2 =	sadd.s32 s19, s18  }
0x9c: {  	s6 =	simm.s32 $0x0;
	s20 =	sshll.u32 s4, $0x1;
	s4 =	sadd.s32 s21, s2  }
0x9d: {  	[timem:s6], [sflag:s22] =	dma.local [hbm:s4], s20  }
0x9e: {  	_ =	swait.ge [sflag:s22], s20  }
0x9f: {  	s3 =	ssub.s32 $0x0, s20;
	[sflag:s22] =	ssyncset.done $0x0  }
0xa0: {  	[sflag:s22] =	ssyncadd.s32 s3;
	_ =	sdelay $0x1  }
0xa1: {  	s23 =	simm.s32 $0x1B8B  }
0xa2: {  	_ =	swait.ge [sflag:s23], $0x1  }
0xa3: {  	[sflag:s23] =	ssyncset.done $0x0  }
0xa4: {  	s25 =	simm.s32 $0x1B8E;
	s24 =	sld [smem:$0x3FFE];
	[sflag:s23] =	ssyncadd.s32 $0xFFFFFFFF  }
0xa5: {  	s26 =	simm.s32 $execute0_lowered;
	[smem:$0x3FD2] =	sst s25  }
0xa6: {  	s4 =	sshll.u32 s26, $0x1;
	_ =	strace $0x80000049;
	[dreg:$0x1] =	wrdreg $0xFFFFFFFF  }
0xa7: {  	s28 =	simm.s32 $_size_execute0_lowered;
	s2 =	sadd.s32 s2, s4;
	[dreg:$0x0] =	wrdreg $0x0  }
0xa8: {  	s4 =	sshll.u32 s28, $0x1;
	[dreg:$0x2] =	wrdreg s2  }
0xa9: {  	[dreg:$0x3] =	wrdreg s4  }
0xaa: {  	[dreg:$0x4] =	wrdreg $0xC0  }
0xab: {  	_ =	task [dreg:s6], $0x5FFFF  }
0xac: {  	[dreg:$0x1] =	wrdreg $0xFFFFFFFF  }
0xad: {  	[dreg:$0x0] =	wrdreg $0x60  }
0xae: {  	[dreg:$0x2] =	wrdreg s24  }
0xaf: {  	[dreg:$0x3] =	wrdreg $0x2A000  }
0xb0: {  	[dreg:$0x4] =	wrdreg $0xEE000  }
0xb1: {  	[dreg:$0x5] =	wrdreg $0x9  }
0xb2: {  	_ =	task.clear_ibuf [dreg:s6], $0x6FFFF;
	_ =	strace $0x90000049  }
0xb3: {  	s29 =	simm.s32 $0x9;
	_ =	strace $0x8000004B  }
0xb4: {  	_ =	swait.ge [sflag:s29], $0x1  }
0xb5: {  	[sflag:s29] =	ssyncadd.s32 $0xFFFFFFFF  }
0xb6: {  	_ =	strace $0x9000004B  }
0xb7: {  	_ =	sfence  }
0xb8: {  	s30 =	sld [smem:$0x0];
	_ =	sdelay $0x2  }
0xb9: {  	s31 =	sshll.u32 s1, $0xD;
	s1 =	sshrl.u32 s1, $0x2  }
0xba: {  	s3 =	sand.u32 $0x4000, s31;
	s1 =	sadd.s32 s1, s30  }
0xbb: {  	s0 =	sor.u32 s3, s0;
	s1 =	sshll.u32 s1, $0x11  }
0xbc: {  	s0 =	sor.u32 s1, s0  }
0xbd: {  	s0 =	sadd.s32 $0x8F2B, s0  }
0xbe: {  	[sflag:s0] =	ssyncadd.remote.s32 $0x1  }
0xbf: {  	_ =	sfence.sel $0xFFFF  }
0xc0: {  	[dreg:$0x0] =	wrdreg $0xFFFFFFFF;
	(pc) =	sbr.abs _section_cstart, $3  }
0xc1: {  	[dreg:$0x1] =	wrdreg $0xFFFFFFFF  }
0xc2: {  	_ =	task.clear_ibuf [dreg:s6], $0x2FFFF;
	_ =	strace $0x9FFFFFFF  }
0xc3: {  	(tm) =	ssettm $0x7FFFFFFF  }
tec
execute0_lowered:
.L_overlay_start_1:
0x0: {  	(tag) =	ssettag $0x1  }
0x1: {  	s7 =	rddreg [dreg:$0x0]  }
0x2: {  	s1 =	rddreg [dreg:$0x1]  }
0x3: {  	s2 =	rddreg [dreg:$0x2];
	s3 =	simm.s32 $0x0;
	s5 =	srdreg.scid  }
0x4: {  	s26 =	stileid.u32;
	[smem:$0x7FF] =	sst s3;
	s4 =	sadd.s32 $0xC6A00, s7  }
0x5: {  	s14 =	sadd.s32 $0x3000, s7;
	s24 =	sadd.s32 $0xDF200, s7;
	s0 =	sadd.s32 $0xE2400, s7  }
0x6: {  	s25 =	sadd.s32 $0xC6600, s7;
	s13 =	sadd.s32 $0xEA200, s7;
	s11 =	sand.u32 $0x1, s5  }
0x7: {  	s15 =	sadd.s32 $0x102A00, s7;
	s16 =	sadd.s32 $0xE3E00, s7;
	s17 =	sadd.s32 $0xE7000, s7  }
0x8: {  	s19 =	smul.u32 $0x1880, s26;
	_ =	strace $0x8000004A;
	[dreg:$0x5] =	wrdreg s4  }
0x9: {  	s7 =	simm.s32 $0x310;
	s20 =	smul.u32 $0xC400, s26;
	[dreg:$0x6] =	wrdreg s24  }
0xa: {  	s29 =	sshll.u32 s26, $0x6;
	s30 =	smul.u32 $0x61, s26;
	[dreg:$0x7] =	wrdreg s0  }
0xb: {  	[dreg:$0x8] =	wrdreg s25;
	s8 =	sshll.u32 s11, $0x4;
	s9 =	ssub.s32 $0x2, s11  }
0xc: {  	s23 =	smul.u32 $0x610, s11;
	s8 =	sor.u32 s26, s8;
	s28 =	sshrl.u32 s9, $0x1  }
0xd: {  	s21 =	sadd.s32 s20, s1;
	s20 =	sshrl.u32 s20, $0x3;
	s10 =	smul.u32 $0x61, s8  }
0xe: {  	s12 =	ssub.s32 s9, s28;
	s18 =	smin.u32 s8, $0x15;
	p0 =	slt.u32 s8, $0x15  }
0xf: {  	s8 =	sor.u32 $0x1C0C, s29;
	s9 =	sadd.s32 s19, s2;
	s19 =	sshrl.u32 s19, $0x3  }
0x10: {  	s7 =	simm.s32 @!p0 $0x308;
	p0 =	seq.s32 s11, $0x1;
	s12 =	smax.u32 s12, $0x1  }
0x11: {  	s10 =	sadd.s32 s18, s10;
	s22 =	sadd.s32 $0xFFFFFFF8, s7;
	s18 =	sadd.s32 s23, s18  }
0x12: {  	s13 =	smov.u32 @p0 s15;
	s16 =	smov.u32 @p0 s17;
	s17 =	simm.s32 $0xC  }
0x13: {  	s10 =	sshll.u32 s10, $0x7;
	[dreg:$0x4] =	wrdreg s22;
	s18 =	sadd.s32 s30, s18  }
0x14: {  	s13 =	sadd.s32 s13, s20;
	s10 =	sadd.s32 s14, s10;
	s31 =	sshll.u32 s18, $0x7  }
0x15: {  	s11 =	sadd.s32 $0x61A80, s10;
	s15 =	sadd.s32 s31, s14;
	s14 =	sadd.s32 s16, s19  }
0x16: {  	s16 =	sshrl.u32 s21, $0x3;
	s19 =	simm.s32 $0x0;
	s15 =	sadd.s32 $0x61B00, s15  }
.LBB2_1:
0x17: {  	s0 =	rddreg [dreg:$0x7]  }
0x18: {  	[spmem:s16], [sflag:s8] =	dma.local [hbm:s0], $0x1880  }
0x19: {  	_ =	swait.ge [sflag:s17], $0x1880  }
0x1a: {  	[sflag:s17] =	ssyncset.done $0x0  }
0x1b: {  	s20 =	sshrl.u32 s9, $0x3;
	s25 =	rddreg [dreg:$0x8];
	[sflag:s17] =	ssyncadd.s32 $0xFFFFE780  }
0x1c: {  	[spmem:s20], [sflag:s8] =	dma.local [hbm:s25], $0x310  }
0x1d: {  	_ =	swait.ge [sflag:s17], $0x310  }
0x1e: {  	[sflag:s17] =	ssyncset.done $0x0  }
0x1f: {  	[sflag:s17] =	ssyncadd.s32 $0xFFFFFCF0  }
0x20: {  	s22 =	sand.u32 $0x7, s3;
	[bflag:$0x0] =	sbarrier.arrive $0xFFFF  }
0x21: {  	[tilespmem:s3], [sflag:$0x1] =	stream.linear.gather [hbm4b:s10+s3], $0x400, $0x38;
	[tilespmem:$0x10680] =	vst v63  }
0x22: {  	p0 =	sne.s32 s22, $0x0;
	s21 =	rddreg [dreg:$0x4]  }
0x23: {  	s26 =	simm.s32 $0xC00;
	p1 =	sle.u32 @!p0 s21, $0x0  }
0x24: {  	[tilespmem:s26], [sflag:$0x1] =	stream.linear.gather [hbm4b:s11+s3], $0x400, $0x38;
	[tilespmem:$0x10680] =	vst v63  }
0x25: {  	s31 =	simm.s32 $0x0;
	p1 =	por p1, p0  }
0x26: {  	s21 =	smul.u32 $0xAB, s31;
	s23 =	simm.s32 @!p1 $0x1  }
0x27: {  	s23 =	sand.u32 @!p1 $0xFF, s23  }
0x28: {  	s21 =	sshrl.u32 s21, $0x9;
	s23 =	smul.u32 @!p1 $0xAB, s23  }
0x29: {  	s21 =	sand.u32 $0x7F, s21  }
0x2a: {  	s21 =	smul.u32 $0x3, s21;
	s23 =	sshrl.u32 @!p1 s23, $0x9  }
0x2b: {  	s23 =	smul.u32 @!p1 $0x3, s23  }
0x2c: {  	p3 =	por $0x1, $0x1;
	p0 =	sle.u32 s7, $0x0  }
0x2d: {  	s24 =	simm.s32 @!p1 $0x0;
	s21 =	ssub.s32 $0x0, s21;
	s23 =	ssub.s32 @!p1 $0x1, s23  }
0x2e: {  	p2 =	sne.s32 @!p0 s22, $0x0;
	s25 =	sand.u32 $0xFF, s21;
	s21 =	sand.u32 @!p1 $0xFF, s23  }
0x2f: {  	s26 =	sadd.s32 @!p1 $0xFFF9E580, s15;
	s23 =	sadd.s32 @!p1 $0x1, s21;
	s21 =	sshll.u32 @!p1 s21, $0xA  }
0x30: {  	[tilespmem:s21], [sflag:s23] =	stream.linear.gather @!p1 [hbm4b:s26+s24], $0x400, $0x38;
	[tilespmem:$0x10680] =	vst v63  }
0x31: {  	p4 =	sle.s32 @!p3 s7, $0xFFFFFFFE;
	p2 =	por p2, p0;
	s21 =	sadd.s32 @!p1 $0xC00, s21  }
0x32: {  	[tilespmem:s21], [sflag:s23] =	stream.linear.gather @!p1 [hbm4b:s15+s24], $0x400, $0x38;
	[tilespmem:$0x10680] =	vst v63  }
0x33: {  	s21 =	sadd.s32 @!p2 $0x1, s25;
	p1 =	por p4, p3  }
0x34: {  	_ =	swait.ge @!p2 [sflag:s21], $0x400;
	s23 =	simm.s32 @!p1 $0x1FFFFFFF  }
0x35: {  	[sflag:s21] =	ssyncset.done @!p2 $0x0;
	s23 =	sand.u32 @!p1 $0xFF, s23  }
0x36: {  	[sflag:s21] =	ssyncadd.s32 @!p2 $0xFFFFFC00;
	s23 =	smul.u32 @!p1 $0xAB, s23  }
0x37: {  	s22 =	sshll.u32 @!p0 s22, $0x7;
	s24 =	simm.s32 $0xFFFFFFFE;
	_ =	swait.ge @!p2 [sflag:s21], $0x400  }
0x38: {  	s26 =	sand.u32 @!p1 $0x3, s24;
	[sflag:s21] =	ssyncset.done @!p2 $0x0;
	s23 =	sshrl.u32 @!p1 s23, $0x9  }
0x39: {  	s24 =	sor.u32 @!p1 $0x4, s26;
	[sflag:s21] =	ssyncadd.s32 @!p2 $0xFFFFFC00;
	s23 =	smul.u32 @!p1 $0x3, s23  }
0x3a: {  	s30 =	simm.s32 @!p1 $0x80;
	s28 =	sshll.u32 @!p1 s26, $0xA;
	_ =	swait.ge @!p1 [sflag:s24], $0x400  }
0x3b: {  	s31 =	sor.u32 @!p1 $0x8, s26;
	s23 =	ssub.s32 @!p1 $0x1FFFFFFF, s23;
	[sflag:s24] =	ssyncset.done @!p1 $0x0  }
0x3c: {  	s21 =	simm.s32 $0xFFFFFF00;
	s23 =	sand.u32 @!p1 $0xFF, s23;
	[sflag:s24] =	ssyncadd.s32 @!p1 $0xFFFFFC00  }
0x3d: {  	s29 =	sand.u32 @!p1 $0x380, s21;
	_ =	swait.ge @!p1 [sflag:s24], $0x80;
	s23 =	sshll.u32 @!p1 s23, $0xA  }
0x3e: {  	s28 =	sadd.s32 @!p1 $0x1800, s28;
	[sflag:s24] =	ssyncset.done @!p1 $0x0;
	s29 =	sor.u32 @!p1 s29, s23  }
0x3f: {  	[sflag:s24] =	ssyncadd.s32 @!p1 $0xFFFFFF80;
	s23 =	sadd.s32 @!p1 $0xC00, s29;
	s24 =	sand.u32 @!p0 $0x3, s3  }
0x40: {  	[spmem:s1] =	stream.indirect.scatter.add.f32 @!p1 [tilespmem:s28], [sflag:s31], $0x8, s23, s30, $0xb8;
	[tilespmem:$0x10680] =	vst v63  }
0x41: {  	p2 =	por $0x1, $0x1;
	s23 =	sshll.u32 @!p0 s25, $0xA;
	s25 =	sshll.u32 @!p0 s24, $0xA  }
0x42: {  	s28 =	sshll.u32 @!p1 s26, $0x7;
	_ =	swait.ge @!p1 [sflag:s31], $0x400;
	s26 =	sadd.s32 @!p0 $0x1800, s25  }
.Ltmp0:
0x43: {  	s25 =	sor.u32 @!p1 $0x2800, s28;
	[sflag:s31] =	ssyncset.done @!p1 $0x0;
	(pc) =	sbr.rel @!p2 .LBB2_3-.Ltmp0, $4  }
0x44: {  	s28 =	sor.u32 @!p0 s22, s23;
	s23 =	simm.s32 $0x1;
	[sflag:s31] =	ssyncadd.s32 @!p1 $0xFFFFFC00  }
0x45: {  	[spmem:s2] =	stream.indirect.scatter.add.f32 @!p1 [tilespmem:s25], [sflag:$0xC], $0x1, s29, s30, $0xb8;
	[tilespmem:$0x10680] =	vst v63  }
0x46: {  	s22 =	sshll.u32 @!p0 s24, $0x7;
	s30 =	simm.s32 @!p1 $0xC;
	s25 =	sadd.s32 @!p0 $0xC00, s28  }
0x47: {  	s29 =	sor.u32 @!p0 $0x2800, s22;
	s22 =	smov.u32 s15;
	_ =	swait.ge @!p1 [sflag:s30], $0x80  }
.LBB2_2:
0x48: {  	s31 =	simm.s32 @!p0 $0x80;
	s0 =	rddreg [dreg:$0x5]  }
0x49: {  	s5 =	sand.u32 $0x7, s23;
	s18 =	rddreg [dreg:$0x4];
	[sflag:s30] =	ssyncset.done @!p1 $0x0  }
0x4a: {  	s24 =	sor.u32 @!p0 $0x4, s24;
	p2 =	sne.s32 s5, $0x0;
	[sflag:s30] =	ssyncadd.s32 @!p1 $0xFFFFFF80  }
0x4b: {  	[tilespmem:s26], [sflag:s24] =	stream.indirect.gather @!p0 [hbm4b:s0+s31], $0x8, s28, s31, $0xb8;
	[tilespmem:$0x10680] =	vst v63  }
0x4c: {  	p1 =	sge.u32 @!p2 s23, s18  }
0x4d: {  	s0 =	sshrl.u32 s23, $0x3;
	p1 =	por p1, p2  }
0x4e: {  	s4 =	rddreg [dreg:$0x6];
	s6 =	smul.u32 $0xAB, s0;
	s26 =	sadd.s32 @!p1 $0x1, s0  }
0x4f: {  	[tilespmem:s29], [sflag:s24] =	stream.indirect.gather @!p0 [hbm4b:s4+s31], $0x1, s25, s31, $0xb8;
	[tilespmem:$0x10680] =	vst v63  }
0x50: {  	s18 =	sshrl.u32 s6, $0x9;
	s28 =	sand.u32 @!p1 $0xFF, s26  }
0x51: {  	s18 =	sand.u32 $0x7F, s18;
	s28 =	smul.u32 @!p1 $0xAB, s28  }
0x52: {  	s18 =	smul.u32 $0x3, s18  }
0x53: {  	s21 =	sadd.s32 $0x80, s21;
	p3 =	slt.u32 s23, $0x2;
	s28 =	sshrl.u32 @!p1 s28, $0x9  }
0x54: {  	s30 =	sadd.s32 $0xFFFFFFFE, s23;
	s0 =	ssub.s32 s0, s18;
	s18 =	smul.u32 @!p1 $0x3, s28  }
0x55: {  	s22 =	sadd.s32 $0x10, s22;
	p4 =	sge.s32 @!p3 s30, s7;
	p0 =	sge.u32 s23, s7  }
0x56: {  	s24 =	sadd.s32 @!p1 $0xFFF9E580, s22;
	p2 =	sne.s32 @!p0 s5, $0x0;
	s4 =	ssub.s32 @!p1 s26, s18  }
0x57: {  	s5 =	sshll.u32 @!p0 s5, $0x7;
	p2 =	por p2, p0;
	s4 =	sand.u32 @!p1 $0xFF, s4  }
0x58: {  	s18 =	simm.s32 @!p1 $0x0;
	s25 =	sadd.s32 @!p1 $0x1, s4;
	s4 =	sshll.u32 @!p1 s4, $0xA  }
0x59: {  	[tilespmem:s4], [sflag:s25] =	stream.linear.gather @!p1 [hbm4b:s24+s18], $0x400, $0x38;
	[tilespmem:$0x10680] =	vst v63  }
0x5a: {  	s0 =	sand.u32 $0xFF, s0;
	s26 =	sadd.s32 @!p1 $0xC00, s4;
	s24 =	sand.u32 @!p0 $0x3, s23  }
0x5b: {  	[tilespmem:s26], [sflag:s25] =	stream.linear.gather @!p1 [hbm4b:s22+s18], $0x400, $0x38;
	[tilespmem:$0x10680] =	vst v63  }
0x5c: {  	s4 =	sshll.u32 @!p0 s0, $0xA;
	s0 =	sadd.s32 @!p2 $0x1, s0;
	p1 =	por p4, p3  }
0x5d: {  	s18 =	sshll.u32 @!p0 s24, $0xA;
	_ =	swait.ge @!p2 [sflag:s0], $0x400;
	s25 =	sshrl.u32 @!p1 s30, $0x3  }
0x5e: {  	s29 =	sand.u32 @!p1 $0x3, s30;
	[sflag:s0] =	ssyncset.done @!p2 $0x0;
	s23 =	sand.u32 @!p1 $0xFF, s25  }
0x5f: {  	s26 =	sshll.u32 @!p1 s29, $0xA;
	[sflag:s0] =	ssyncadd.s32 @!p2 $0xFFFFFC00;
	s23 =	smul.u32 @!p1 $0xAB, s23  }
0x60: {  	s28 =	sshll.u32 @!p1 s29, $0x7;
	s31 =	sadd.s32 @!p1 $0x1800, s26;
	_ =	swait.ge @!p2 [sflag:s0], $0x400  }
0x61: {  	s26 =	sadd.s32 @!p0 $0x1800, s18;
	[sflag:s0] =	ssyncset.done @!p2 $0x0;
	s18 =	sshrl.u32 @!p1 s23, $0x9  }
0x62: {  	s6 =	sor.u32 @!p1 $0x4, s29;
	[sflag:s0] =	ssyncadd.s32 @!p2 $0xFFFFFC00;
	s0 =	smul.u32 @!p1 $0x3, s18  }
0x63: {  	s23 =	sadd.s32 $0x3, s30;
	s30 =	sor.u32 @!p1 $0x8, s29;
	_ =	swait.ge @!p1 [sflag:s6], $0x400  }
0x64: {  	s18 =	sor.u32 @!p1 $0x2800, s28;
	s0 =	ssub.s32 @!p1 s25, s0;
	[sflag:s6] =	ssyncset.done @!p1 $0x0  }
0x65: {  	s28 =	sor.u32 @!p0 s5, s4;
	s0 =	sand.u32 @!p1 $0xFF, s0;
	[sflag:s6] =	ssyncadd.s32 @!p1 $0xFFFFFC00  }
0x66: {  	s5 =	sand.u32 @!p1 $0x380, s21;
	_ =	swait.ge @!p1 [sflag:s6], $0x80;
	s0 =	sshll.u32 @!p1 s0, $0xA  }
0x67: {  	p2 =	sne.s32 s23, $0x312;
	[sflag:s6] =	ssyncset.done @!p1 $0x0;
	s0 =	sor.u32 @!p1 s5, s0  }
0x68: {  	s5 =	simm.s32 @!p1 $0x80;
	[sflag:s6] =	ssyncadd.s32 @!p1 $0xFFFFFF80;
	s6 =	sadd.s32 @!p1 $0xC00, s0  }
0x69: {  	[spmem:s1] =	stream.indirect.scatter.add.f32 @!p1 [tilespmem:s31], [sflag:s30], $0x8, s6, s5, $0xb8;
	[tilespmem:$0x10680] =	vst v63  }
.Ltmp1:
0x6a: {  	_ =	swait.ge @!p1 [sflag:s30], $0x400;
	(pc) =	sbr.rel @p2 .LBB2_2-.Ltmp1, $4  }
0x6b: {  	[sflag:s30] =	ssyncset.done @!p1 $0x0  }
0x6c: {  	s4 =	sshll.u32 @!p0 s24, $0x7;
	[sflag:s30] =	ssyncadd.s32 @!p1 $0xFFFFFC00;
	s30 =	simm.s32 @!p1 $0xC  }
0x6d: {  	[spmem:s2] =	stream.indirect.scatter.add.f32 @!p1 [tilespmem:s18], [sflag:$0xC], $0x1, s0, s5, $0xb8;
	[tilespmem:$0x10680] =	vst v63  }
0x6e: {  	s29 =	sor.u32 @!p0 $0x2800, s4;
	s25 =	sadd.s32 @!p0 $0xC00, s28;
	_ =	swait.ge @!p1 [sflag:s30], $0x80  }
.LBB2_3:
0x6f: {  	s0 =	rddreg [dreg:$0x5];
	[sflag:s30] =	ssyncset.done @!p1 $0x0  }
0x70: {  	s4 =	simm.s32 @!p0 $0x80;
	s5 =	sor.u32 @!p0 $0x4, s24;
	[sflag:s30] =	ssyncadd.s32 @!p1 $0xFFFFFF80  }
0x71: {  	[tilespmem:s26], [sflag:s5] =	stream.indirect.gather @!p0 [hbm4b:s0+s4], $0x8, s28, s4, $0xb8;
	[tilespmem:$0x10680] =	vst v63  }
0x72: {  	s6 =	rddreg [dreg:$0x6]  }
0x73: {  	[tilespmem:s29], [sflag:s5] =	stream.indirect.gather @!p0 [hbm4b:s6+s4], $0x1, s25, s4, $0xb8;
	[tilespmem:$0x10680] =	vst v63  }
0x74: {  	[bflag:$0x0] =	sbarrier.arrive $0xFFFF  }
0x75: {  	[hbm:s13], [sflag:s8] =	dma.local [spmem:s16], $0x1880  }
0x76: {  	s19 =	sadd.s32 $0x1, s19;
	_ =	swait.ge [sflag:s17], $0x1880  }
0x77: {  	p0 =	sne.s32 s19, s12;
	[sflag:s17] =	ssyncset.done $0x0  }
.Ltmp2:
0x78: {  	[sflag:s17] =	ssyncadd.s32 $0xFFFFE780;
	(pc) =	sbr.rel @p0 .LBB2_1-.Ltmp2, $4  }
0x79: {  	[hbm:s14], [sflag:s8] =	dma.local [spmem:s20], $0x310  }
0x7a: {  	_ =	swait.ge [sflag:s17], $0x310  }
0x7b: {  	[sflag:s17] =	ssyncset.done $0x0  }
0x7c: {  	[sflag:s17] =	ssyncadd.s32 $0xFFFFFCF0  }
0x7d: {  	_ =	sfence.sel $0x180000  }
0x7e: {  	[bflag:$0x0] =	sbarrier.arrive $0xFFFF  }
0x7f: {  	_ =	strace $0x9000004A  }
0x80: {  	s0 =	stileid.u32;
	[bflag:$0x2] =	sbarrier.arrive $0xFFFF  }
0x81: {  	p0 =	sne.s32 s0, $0x0;
	s0 =	rddreg [dreg:$0x3]  }
0x82: {  	s0 =	sadd.s32 @!p0 $0x100000, s0  }
0x83: {  	[sflag:s0] =	ssyncadd.tile.s32 @!p0 $0x1;
	_ =	shalt  }
.Lfunc_end2:
_tile_overlayer_lowered:
.L_overlay_start_2:
0x84: {  	(tag) =	ssettag $0x2  }
0x85: {  	s0 =	rddreg [dreg:$0x0];
	s2 =	stileid.u32  }
0x86: {  	s1 =	rddreg [dreg:$0x1];
	p0 =	sne.s32 s2, $0x0  }
0x87: {  	s3 =	rddreg [dreg:$0x2];
	[bflag:$0x3] =	sbarrier.arrive $0xFFFF;
	s2 =	simm.s32 @!p0 $0x1C0C  }
0x88: {  	[timem:s3], [sflag:s2] =	dma.local @!p0 [hbm:s0], s1  }
0x89: {  	s0 =	simm.s32 @!p0 $0xC  }
0x8a: {  	_ =	swait.ge @!p0 [sflag:s0], s1  }
0x8b: {  	s1 =	ssub.s32 @!p0 $0x0, s1;
	[sflag:s0] =	ssyncset.done @!p0 $0x0  }
0x8c: {  	[sflag:s0] =	ssyncadd.s32 @!p0 s1  }
0x8d: {  	[bflag:$0x3] =	sbarrier.arrive $0xFFFF  }
0x8e: {  	_ =	shalt  }

</sc_bundles>
